<compile_context>
chip_gen: v7x
topology: tpu7x:2x2x1
jax: 0.10.2.dev20260603
libtpu: 0.0.44.dev20260713+nightly
codegen_flags: <defaults>
</compile_context>

<pallas_src>
import jax
import jax.numpy as jnp
import numpy as np
from jax import lax
from jax.experimental import pallas as pl
from jax.experimental.pallas import tpu as pltpu
from jax.experimental.pallas import tpu_sc as plsc

_D = 128
_HALF = 64
_L = 16
_NCH = _D // _L

_PI_HI = np.float32(3.1415927410125732)
_PI_LO = np.float32(-8.742277657347586e-08)
_INV_PI = np.float32(1.0 / np.pi)


def _range_reduce(s):
    nf = s * _INV_PI
    n = (nf + jnp.where(nf >= 0, jnp.float32(0.5),
                        jnp.float32(-0.5))).astype(jnp.int32)
    nfl = n.astype(jnp.float32)
    r = (s - nfl * _PI_HI) - nfl * _PI_LO
    sign = jnp.where((n & 1) == 1, jnp.float32(-1.0), jnp.float32(1.0))
    return r, sign


def _poly_sin(s):
    r, sg = _range_reduce(s)
    r2 = r * r
    p = 1.0 + r2 * (-1.0 / 6 + r2 * (1.0 / 120 + r2 * (-1.0 / 5040
                                                       + r2 * (1.0 / 362880))))
    return sg * r * p


def _poly_cos(s):
    r, sg = _range_reduce(s)
    r2 = r * r
    p = 1.0 + r2 * (-0.5 + r2 * (1.0 / 24 + r2 * (-1.0 / 720
                                                  + r2 * (1.0 / 40320
                                                          + r2 * (-1.0 / 3628800)))))
    return sg * p


def _matvec_acc(vec_v, mat_v, unroll=4):
    def step(i, acc):
        accs = list(acc)
        for d in range(unroll):
            row = i * unroll + d
            idx = jnp.broadcast_to(row, (_L,)).astype(jnp.int32)
            splat = plsc.load_gather(vec_v, [idx])
            for c in range(_NCH):
                accs[c] = accs[c] + splat * mat_v[row, pl.ds(c * _L, _L)]
        return tuple(accs)

    acc0 = tuple(jnp.zeros((_L,), jnp.float32) for _ in range(_NCH))
    return lax.fori_loop(0, _D // unroll, step, acc0)


def _sc_body(x0_h, q_h, tvec_h, w_t2v_h, b_t2v_h, w_tp_h, b_tp_h,
             w_proj_h, b_proj_h, out_h,
             x0_v, tvec_v, w_t2v_v, b_t2v_v, wtp_v, b_tp_v, wproj_v,
             b_proj_v, qrow_v, emb_v, q0_v, out_v, red_v,
             sem_a, sem_wtp, sem_wproj, sem_q):
    on0 = jnp.logical_and(lax.axis_index("c") == 0, lax.axis_index("s") == 0)

    @pl.when(on0)
    def _():
        h_wtp = pltpu.async_copy(w_tp_h, wtp_v, sem_wtp)
        h_wproj = pltpu.async_copy(w_proj_h, wproj_v, sem_wproj)
        h_tvec = pltpu.async_copy(tvec_h, tvec_v, sem_a)
        h_wt2v = pltpu.async_copy(w_t2v_h, w_t2v_v, sem_a)
        h_bt2v = pltpu.async_copy(b_t2v_h, b_t2v_v, sem_a)
        h_btp = pltpu.async_copy(b_tp_h, b_tp_v, sem_a)
        h_bproj = pltpu.async_copy(b_proj_h, b_proj_v, sem_a)
        pltpu.sync_copy(x0_h, x0_v)
        h_q = pltpu.async_copy(q_h.at[x0_v], qrow_v, sem_q)
        h_tvec.wait()
        h_wt2v.wait()
        h_bt2v.wait()
        h_btp.wait()
        h_bproj.wait()

        m = tvec_v[pl.ds(0, _L)]
        for c in range(1, 4):
            m = jnp.maximum(m, tvec_v[pl.ds(c * _L, _L)])
        idx = lax.iota(jnp.int32, _L)
        for k in (1, 2, 4, 8):
            red_v[...] = m
            m = jnp.maximum(m, plsc.load_gather(red_v, [idx ^ k]))
        t_chunk = tvec_v[pl.ds(4 * _L, _L)]
        delta = jnp.maximum(m, t_chunk) - t_chunk

        scale = jnp.float32(np.sqrt(float(_HALF)))
        for c in range(_HALF // _L):
            s_c = delta * w_t2v_v[pl.ds(c * _L, _L)] + b_t2v_v[pl.ds(c * _L, _L)]
            emb_v[pl.ds(c * _L, _L)] = _poly_sin(s_c) * scale
            emb_v[pl.ds(_HALF + c * _L, _L)] = _poly_cos(s_c) * scale

        h_wtp.wait()
        acc = _matvec_acc(emb_v, wtp_v)
        h_q.wait()
        for c in range(_NCH):
            q0_c = (qrow_v[0, pl.ds(c * _L, _L)] + acc[c]
                    + b_tp_v[pl.ds(c * _L, _L)])
            q0_v[pl.ds(c * _L, _L)] = q0_c

        h_wproj.wait()
        acc2 = _matvec_acc(q0_v, wproj_v)
        for c in range(_NCH):
            o_c = acc2[c] + b_proj_v[pl.ds(c * _L, _L)]
            out_v[0, pl.ds(c * _L, _L)] = jnp.maximum(o_c, jnp.float32(0.0))
        pltpu.sync_copy(out_v, out_h)


def kernel(x_0, k, q, v, t, neighbors, times, w_t2v, b_t2v, w_tp, b_tp,
           w_proj, b_proj):
    x0 = jnp.asarray(x_0, jnp.int32).reshape(1)
    t_f = jnp.asarray(t, jnp.float32)
    tvec = jnp.concatenate([times.reshape(_HALF),
                            jnp.full((_L,), t_f, jnp.float32)])

    sc_kernel = pl.kernel(
        _sc_body,
        out_type=jax.ShapeDtypeStruct((1, _D), jnp.float32),
        mesh=plsc.VectorSubcoreMesh(core_axis_name="c", subcore_axis_name="s"),
        compiler_params=pltpu.CompilerParams(needs_layout_passes=False),
        scratch_types=[
            pltpu.VMEM((1,), jnp.int32),
            pltpu.VMEM((5 * _L,), jnp.float32),
            pltpu.VMEM((_HALF,), jnp.float32),
            pltpu.VMEM((_HALF,), jnp.float32),
            pltpu.VMEM((_D, _D), jnp.float32),
            pltpu.VMEM((_D,), jnp.float32),
            pltpu.VMEM((_D, _D), jnp.float32),
            pltpu.VMEM((_D,), jnp.float32),
            pltpu.VMEM((1, _D), jnp.float32),
            pltpu.VMEM((_D,), jnp.float32),
            pltpu.VMEM((_D,), jnp.float32),
            pltpu.VMEM((1, _D), jnp.float32),
            pltpu.VMEM((_L,), jnp.float32),
            pltpu.SemaphoreType.DMA,
            pltpu.SemaphoreType.DMA,
            pltpu.SemaphoreType.DMA,
            pltpu.SemaphoreType.DMA,
        ],
    )
    return sc_kernel(x0, q, tvec, w_t2v.reshape(_HALF), b_t2v, w_tp, b_tp,
                     w_proj, b_proj)

# --- scband reference (transcript-rebuilt; emitter-appended) ---
"""Pipeline reference for scband-neighborhood-aggr-52828097741150 (READ-ONLY COPY).

The authoritative reference and input builder live on the scoring server;
editing this copy changes nothing except your own understanding.
"""

import jax, jax.numpy as jnp
import numpy as np

N_NODES = 100000
D = 128
T_FEATS = 128
DEG = 64


def setup_inputs(seed: int = 0) -> dict:
    key = jax.random.key(seed)
    ks = jax.random.split(key, 12)
    k_tab = jax.random.normal(ks[0], (N_NODES, D), dtype=jnp.float32)
    q_tab = jax.random.normal(ks[1], (N_NODES, D), dtype=jnp.float32)
    v_tab = jax.random.normal(ks[2], (N_NODES, D), dtype=jnp.float32)
    neighbors = jax.random.randint(ks[3], (DEG,), 0, N_NODES)
    times = jax.random.uniform(ks[4], (DEG, 1), dtype=jnp.float32)
    half = T_FEATS // 2
    w_t2v = jax.random.normal(ks[5], (1, half), dtype=jnp.float32)
    b_t2v = jax.random.normal(ks[6], (half,), dtype=jnp.float32) * 0.1
    w_tp = jax.random.normal(ks[7], (T_FEATS, D), dtype=jnp.float32) * (1.0 / np.sqrt(T_FEATS))
    b_tp = jax.random.normal(ks[8], (D,), dtype=jnp.float32) * 0.1
    w_proj = jax.random.normal(ks[9], (D, D), dtype=jnp.float32) * (1.0 / np.sqrt(D))
    b_proj = jax.random.normal(ks[10], (D,), dtype=jnp.float32) * 0.1
    return {"x_0": 12345, "k": k_tab, "q": q_tab, "v": v_tab, "t": 1,
            "neighbors": neighbors, "times": times,
            "w_t2v": w_t2v, "b_t2v": b_t2v, "w_tp": w_tp, "b_tp": b_tp,
            "w_proj": w_proj, "b_proj": b_proj}


def reference(x_0, k, q, v, t, neighbors, times, w_t2v, b_t2v, w_tp, b_tp, w_proj, b_proj):
    norm = jnp.sqrt(1.0 / (T_FEATS // 2))
    t_f = jnp.asarray(t, dtype=jnp.float32)
    # time-mask over neighbors (graph.one_hop[x_0] -> (neighbors, times)); indices are constants
    mask = times[:, 0] <= t_f
    # q = q[x_0].unsqueeze(0)
    q0 = q[x_0][None, :]
    # k, v = k[neighbors[t_mask]], v[neighbors[t_mask]]  (sparse gather from node tables)
    kk = jnp.take(k, neighbors, axis=0)
    vv = jnp.take(v, neighbors, axis=0)
    # TimeKernel(cat([[t]], times))
    tcat = jnp.concatenate([t_f.reshape(1, 1), times], axis=0)
    tcat = tcat.max() - tcat
    s = tcat @ w_t2v + b_t2v
    emb = jnp.concatenate([jnp.sin(s), jnp.cos(s)], axis=1) / norm
    # time_param linear
    te = emb @ w_tp + b_tp
    q0 = q0 + te[0]
    kk = kk + te[1:]
    vv = vv + te[1:]
    logits = q0 @ kk.T
    logits = jnp.where(mask[None, :], logits, -jnp.inf)
    attn = jax.nn.softmax(logits, axis=1)
    h = attn @ vv  # computed in original forward but unused in the returned value
    out = jax.nn.relu(jnp.concatenate([q0], axis=0) @ w_proj + b_proj)
    return out

if __name__ == "__main__":
    import jax
    _d = setup_inputs()
    print(jax.jit(kernel)(*tuple(_d.values())))

</pallas_src>

<mosaic_0001>
#map = affine_map<(d0, d1) -> (0)>
#map1 = affine_map<(d0, d1) -> (0, 0)>
module attributes {stable_mosaic.version = 14 : i64} {
  func.func @_sc_body(%arg0: i32, %arg1: i32, %arg2: memref<1xi32, #tpu.memory_space<hbm>>, %arg3: memref<100000x128xf32, #tpu.memory_space<hbm>>, %arg4: memref<80xf32, #tpu.memory_space<hbm>>, %arg5: memref<64xf32, #tpu.memory_space<hbm>>, %arg6: memref<64xf32, #tpu.memory_space<hbm>>, %arg7: memref<128x128xf32, #tpu.memory_space<hbm>>, %arg8: memref<128xf32, #tpu.memory_space<hbm>>, %arg9: memref<128x128xf32, #tpu.memory_space<hbm>>, %arg10: memref<128xf32, #tpu.memory_space<hbm>>, %arg11: memref<1x128xf32, #tpu.memory_space<hbm>>, %arg12: memref<1xi32, #tpu.memory_space<vmem>>, %arg13: memref<80xf32, #tpu.memory_space<vmem>>, %arg14: memref<64xf32, #tpu.memory_space<vmem>>, %arg15: memref<64xf32, #tpu.memory_space<vmem>>, %arg16: memref<128x128xf32, #tpu.memory_space<vmem>>, %arg17: memref<128xf32, #tpu.memory_space<vmem>>, %arg18: memref<128x128xf32, #tpu.memory_space<vmem>>, %arg19: memref<128xf32, #tpu.memory_space<vmem>>, %arg20: memref<1x128xf32, #tpu.memory_space<vmem>>, %arg21: memref<128xf32, #tpu.memory_space<vmem>>, %arg22: memref<128xf32, #tpu.memory_space<vmem>>, %arg23: memref<1x128xf32, #tpu.memory_space<vmem>>, %arg24: memref<16xf32, #tpu.memory_space<vmem>>, %arg25: memref<!tpu.dma_semaphore, #tpu.memory_space<semaphore_mem>>, %arg26: memref<!tpu.dma_semaphore, #tpu.memory_space<semaphore_mem>>, %arg27: memref<!tpu.dma_semaphore, #tpu.memory_space<semaphore_mem>>, %arg28: memref<!tpu.dma_semaphore, #tpu.memory_space<semaphore_mem>>) attributes {dimension_semantics = [#tpu.dimension_semantics<core_parallel>, #tpu.dimension_semantics<subcore_parallel>], iteration_bounds = array<i64: 2, 16>, scalar_prefetch = 0 : i64, scratch_operands = 17 : i64, tpu.core_type = #tpu.core_type<sc_vector_subcore>, window_params = [{transform_indices = #map}, {transform_indices = #map1}, {transform_indices = #map}, {transform_indices = #map}, {transform_indices = #map}, {transform_indices = #map1}, {transform_indices = #map}, {transform_indices = #map1}, {transform_indices = #map}, {transform_indices = #map1}]} {
    %eq3A = arith.constant 0 : i32
    %eq3A_0 = arith.cmpi eq, %arg0, %eq3A : i32
    %eq3A_1 = arith.constant 0 : i32
    %eq3A_2 = arith.cmpi eq, %arg1, %eq3A_1 : i32
    %and3A = arith.andi %eq3A_0, %eq3A_2 : i1
    %convert_element_type3A = arith.extui %and3A : i1 to i32
    %cond3A = arith.constant 0 : i32
    %cond3A_3 = arith.cmpi ne, %convert_element_type3A, %cond3A : i32
    scf.if %cond3A_3 {
      tpu.enqueue_dma source(%arg7 : memref<128x128xf32, #tpu.memory_space<hbm>>) target(%arg16 : memref<128x128xf32, #tpu.memory_space<vmem>>) target_semaphore(%arg26 : memref<!tpu.dma_semaphore, #tpu.memory_space<semaphore_mem>>)
      tpu.enqueue_dma source(%arg9 : memref<128x128xf32, #tpu.memory_space<hbm>>) target(%arg18 : memref<128x128xf32, #tpu.memory_space<vmem>>) target_semaphore(%arg27 : memref<!tpu.dma_semaphore, #tpu.memory_space<semaphore_mem>>)
      tpu.enqueue_dma source(%arg4 : memref<80xf32, #tpu.memory_space<hbm>>) target(%arg13 : memref<80xf32, #tpu.memory_space<vmem>>) target_semaphore(%arg25 : memref<!tpu.dma_semaphore, #tpu.memory_space<semaphore_mem>>)
      tpu.enqueue_dma source(%arg5 : memref<64xf32, #tpu.memory_space<hbm>>) target(%arg14 : memref<64xf32, #tpu.memory_space<vmem>>) target_semaphore(%arg25 : memref<!tpu.dma_semaphore, #tpu.memory_space<semaphore_mem>>)
      tpu.enqueue_dma source(%arg6 : memref<64xf32, #tpu.memory_space<hbm>>) target(%arg15 : memref<64xf32, #tpu.memory_space<vmem>>) target_semaphore(%arg25 : memref<!tpu.dma_semaphore, #tpu.memory_space<semaphore_mem>>)
      tpu.enqueue_dma source(%arg8 : memref<128xf32, #tpu.memory_space<hbm>>) target(%arg17 : memref<128xf32, #tpu.memory_space<vmem>>) target_semaphore(%arg25 : memref<!tpu.dma_semaphore, #tpu.memory_space<semaphore_mem>>)
      tpu.enqueue_dma source(%arg10 : memref<128xf32, #tpu.memory_space<hbm>>) target(%arg19 : memref<128xf32, #tpu.memory_space<vmem>>) target_semaphore(%arg25 : memref<!tpu.dma_semaphore, #tpu.memory_space<semaphore_mem>>)
      "tpu.region"() ({
        %run_scoped3A = tpu.sem_alloc : memref<!tpu.dma_semaphore, #tpu.memory_space<semaphore_mem>>
        tpu.enqueue_dma source(%arg2 : memref<1xi32, #tpu.memory_space<hbm>>) target(%arg12 : memref<1xi32, #tpu.memory_space<vmem>>) target_semaphore(%run_scoped3A : memref<!tpu.dma_semaphore, #tpu.memory_space<semaphore_mem>>)
        tpu.wait_dma2 semaphore(%run_scoped3A : memref<!tpu.dma_semaphore, #tpu.memory_space<semaphore_mem>>) src(%arg2 : memref<1xi32, #tpu.memory_space<hbm>>) dst(%arg12 : memref<1xi32, #tpu.memory_space<vmem>>)
        tpu.yield
      }) : () -> ()
      %dma_start3A = arith.constant 0 : i32
      %dma_start3A_4 = arith.constant 0 : i32
      %dma_start3A_5 = tpu.memref_slice %arg3[%dma_start3A, %dma_start3A_4] : memref<100000x128xf32, #tpu.memory_space<hbm>> -> memref<100000x128xf32, #tpu.memory_space<hbm>>
      tpu.enqueue_indirect_dma source(%dma_start3A_5 : memref<100000x128xf32, #tpu.memory_space<hbm>>) target(%arg20 : memref<1x128xf32, #tpu.memory_space<vmem>>) offsets(%arg12 : memref<1xi32, #tpu.memory_space<vmem>>) semaphore(%arg28 : memref<!tpu.dma_semaphore, #tpu.memory_space<semaphore_mem>>)
      tpu.wait_dma2 semaphore(%arg25 : memref<!tpu.dma_semaphore, #tpu.memory_space<semaphore_mem>>) src(%arg4 : memref<80xf32, #tpu.memory_space<hbm>>) dst(%arg13 : memref<80xf32, #tpu.memory_space<vmem>>)
      tpu.wait_dma2 semaphore(%arg25 : memref<!tpu.dma_semaphore, #tpu.memory_space<semaphore_mem>>) src(%arg5 : memref<64xf32, #tpu.memory_space<hbm>>) dst(%arg14 : memref<64xf32, #tpu.memory_space<vmem>>)
      tpu.wait_dma2 semaphore(%arg25 : memref<!tpu.dma_semaphore, #tpu.memory_space<semaphore_mem>>) src(%arg6 : memref<64xf32, #tpu.memory_space<hbm>>) dst(%arg15 : memref<64xf32, #tpu.memory_space<vmem>>)
      tpu.wait_dma2 semaphore(%arg25 : memref<!tpu.dma_semaphore, #tpu.memory_space<semaphore_mem>>) src(%arg8 : memref<128xf32, #tpu.memory_space<hbm>>) dst(%arg17 : memref<128xf32, #tpu.memory_space<vmem>>)
      tpu.wait_dma2 semaphore(%arg25 : memref<!tpu.dma_semaphore, #tpu.memory_space<semaphore_mem>>) src(%arg10 : memref<128xf32, #tpu.memory_space<hbm>>) dst(%arg19 : memref<128xf32, #tpu.memory_space<vmem>>)
      %get3A = arith.constant 0 : index
      %get3A_6 = tpu.vector_load %arg13[%get3A] {strides = array<i32>} : memref<80xf32, #tpu.memory_space<vmem>>, vector<16xf32>,
      %get3A_7 = arith.constant 16 : index
      %get3A_8 = tpu.vector_load %arg13[%get3A_7] {strides = array<i32>} : memref<80xf32, #tpu.memory_space<vmem>>, vector<16xf32>,
      %max3A = arith.maximumf %get3A_6, %get3A_8 : vector<16xf32>
      %get3A_9 = arith.constant 32 : index
      %get3A_10 = tpu.vector_load %arg13[%get3A_9] {strides = array<i32>} : memref<80xf32, #tpu.memory_space<vmem>>, vector<16xf32>,
      %max3A_11 = arith.maximumf %max3A, %get3A_10 : vector<16xf32>
      %get3A_12 = arith.constant 48 : index
      %get3A_13 = tpu.vector_load %arg13[%get3A_12] {strides = array<i32>} : memref<80xf32, #tpu.memory_space<vmem>>, vector<16xf32>,
      %max3A_14 = arith.maximumf %max3A_11, %get3A_13 : vector<16xf32>
      %iota3A = tpu.iota {dimensions = array<i32: 0>} : vector<16xi32>
      %swap3A = arith.constant 0 : index
      %swap3A_15 = tpu.vector_load %arg24[%swap3A] {strides = array<i32>} : memref<16xf32, #tpu.memory_space<vmem>>, vector<16xf32>,
      tpu.vector_store %arg24[%swap3A], %max3A_14 {strides = array<i32>} : memref<16xf32, #tpu.memory_space<vmem>>, vector<16xf32>,
      %xor3A = arith.constant 1 : i32
      %xor3A_16 = vector.broadcast %xor3A : i32 to vector<16xi32>
      %xor3A_17 = arith.xori %iota3A, %xor3A_16 : vector<16xi32>
      %gather3A = tpu.vector_load_idx %arg24[%xor3A_17] : memref<16xf32, #tpu.memory_space<vmem>>[vector<16xi32>], vector<16xf32>,
      %max3A_18 = arith.maximumf %max3A_14, %gather3A : vector<16xf32>
      %swap3A_19 = arith.constant 0 : index
      %swap3A_20 = tpu.vector_load %arg24[%swap3A_19] {strides = array<i32>} : memref<16xf32, #tpu.memory_space<vmem>>, vector<16xf32>,
      tpu.vector_store %arg24[%swap3A_19], %max3A_18 {strides = array<i32>} : memref<16xf32, #tpu.memory_space<vmem>>, vector<16xf32>,
      %xor3A_21 = arith.constant 2 : i32
      %xor3A_22 = vector.broadcast %xor3A_21 : i32 to vector<16xi32>
      %xor3A_23 = arith.xori %iota3A, %xor3A_22 : vector<16xi32>
      %gather3A_24 = tpu.vector_load_idx %arg24[%xor3A_23] : memref<16xf32, #tpu.memory_space<vmem>>[vector<16xi32>], vector<16xf32>,
      %max3A_25 = arith.maximumf %max3A_18, %gather3A_24 : vector<16xf32>
      %swap3A_26 = arith.constant 0 : index
      %swap3A_27 = tpu.vector_load %arg24[%swap3A_26] {strides = array<i32>} : memref<16xf32, #tpu.memory_space<vmem>>, vector<16xf32>,
      tpu.vector_store %arg24[%swap3A_26], %max3A_25 {strides = array<i32>} : memref<16xf32, #tpu.memory_space<vmem>>, vector<16xf32>,
      %xor3A_28 = arith.constant 4 : i32
      %xor3A_29 = vector.broadcast %xor3A_28 : i32 to vector<16xi32>
      %xor3A_30 = arith.xori %iota3A, %xor3A_29 : vector<16xi32>
      %gather3A_31 = tpu.vector_load_idx %arg24[%xor3A_30] : memref<16xf32, #tpu.memory_space<vmem>>[vector<16xi32>], vector<16xf32>,
      %max3A_32 = arith.maximumf %max3A_25, %gather3A_31 : vector<16xf32>
      %swap3A_33 = arith.constant 0 : index
      %swap3A_34 = tpu.vector_load %arg24[%swap3A_33] {strides = array<i32>} : memref<16xf32, #tpu.memory_space<vmem>>, vector<16xf32>,
      tpu.vector_store %arg24[%swap3A_33], %max3A_32 {strides = array<i32>} : memref<16xf32, #tpu.memory_space<vmem>>, vector<16xf32>,
      %xor3A_35 = arith.constant 8 : i32
      %xor3A_36 = vector.broadcast %xor3A_35 : i32 to vector<16xi32>
      %xor3A_37 = arith.xori %iota3A, %xor3A_36 : vector<16xi32>
      %gather3A_38 = tpu.vector_load_idx %arg24[%xor3A_37] : memref<16xf32, #tpu.memory_space<vmem>>[vector<16xi32>], vector<16xf32>,
      %max3A_39 = arith.maximumf %max3A_32, %gather3A_38 : vector<16xf32>
      %get3A_40 = arith.constant 64 : index
      %get3A_41 = tpu.vector_load %arg13[%get3A_40] {strides = array<i32>} : memref<80xf32, #tpu.memory_space<vmem>>, vector<16xf32>,
      %max3A_42 = arith.maximumf %max3A_39, %get3A_41 : vector<16xf32>
      %sub3A = arith.subf %max3A_42, %get3A_41 : vector<16xf32>
      %get3A_43 = arith.constant 0 : index
      %get3A_44 = tpu.vector_load %arg14[%get3A_43] {strides = array<i32>} : memref<64xf32, #tpu.memory_space<vmem>>, vector<16xf32>,
      %mul3A = arith.mulf %sub3A, %get3A_44 : vector<16xf32>
      %get3A_45 = arith.constant 0 : index
      %get3A_46 = tpu.vector_load %arg15[%get3A_45] {strides = array<i32>} : memref<64xf32, #tpu.memory_space<vmem>>, vector<16xf32>,
      %add3A = arith.addf %mul3A, %get3A_46 : vector<16xf32>
      %mul3A_47 = arith.constant 0.318309873 : f32
      %mul3A_48 = vector.broadcast %mul3A_47 : f32 to vector<16xf32>
      %mul3A_49 = arith.mulf %add3A, %mul3A_48 : vector<16xf32>
      %ge3A = arith.constant 0.000000e+00 : f32
      %ge3A_50 = vector.broadcast %ge3A : f32 to vector<16xf32>
      %ge3A_51 = arith.cmpf oge, %mul3A_49, %ge3A_50 : vector<16xf32>
      %jit3A = arith.constant 5.000000e-01 : f32
      %jit3A_52 = arith.constant -5.000000e-01 : f32
      %broadcast_in_dim3A = vector.broadcast %jit3A : f32 to vector<16xf32>
      %broadcast_in_dim3A_53 = vector.broadcast %jit3A_52 : f32 to vector<16xf32>
      %select_n3A = arith.select %ge3A_51, %broadcast_in_dim3A, %broadcast_in_dim3A_53 : vector<16xi1>, vector<16xf32>
      %add3A_54 = arith.addf %mul3A_49, %select_n3A : vector<16xf32>
      %convert_element_type3A_55 = arith.fptosi %add3A_54 : vector<16xf32> to vector<16xi32>
      %convert_element_type3A_56 = arith.sitofp %convert_element_type3A_55 : vector<16xi32> to vector<16xf32>
      %mul3A_57 = arith.constant 3.14159274 : f32
      %mul3A_58 = vector.broadcast %mul3A_57 : f32 to vector<16xf32>
      %mul3A_59 = arith.mulf %convert_element_type3A_56, %mul3A_58 : vector<16xf32>
      %sub3A_60 = arith.subf %add3A, %mul3A_59 : vector<16xf32>
      %mul3A_61 = arith.constant -8.74227765E-8 : f32
      %mul3A_62 = vector.broadcast %mul3A_61 : f32 to vector<16xf32>
      %mul3A_63 = arith.mulf %convert_element_type3A_56, %mul3A_62 : vector<16xf32>
      %sub3A_64 = arith.subf %sub3A_60, %mul3A_63 : vector<16xf32>
      %and3A_65 = arith.constant 1 : i32
      %and3A_66 = vector.broadcast %and3A_65 : i32 to vector<16xi32>
      %and3A_67 = arith.andi %convert_element_type3A_55, %and3A_66 : vector<16xi32>
      %eq3A_68 = arith.constant 1 : i32
      %eq3A_69 = vector.broadcast %eq3A_68 : i32 to vector<16xi32>
      %eq3A_70 = arith.cmpi eq, %and3A_67, %eq3A_69 : vector<16xi32>
      %jit3A_71 = arith.constant -1.000000e+00 : f32
      %jit3A_72 = arith.constant 1.000000e+00 : f32
      %broadcast_in_dim3A_73 = vector.broadcast %jit3A_71 : f32 to vector<16xf32>
      %broadcast_in_dim3A_74 = vector.broadcast %jit3A_72 : f32 to vector<16xf32>
      %select_n3A_75 = arith.select %eq3A_70, %broadcast_in_dim3A_73, %broadcast_in_dim3A_74 : vector<16xi1>, vector<16xf32>
      %mul3A_76 = arith.mulf %sub3A_64, %sub3A_64 : vector<16xf32>
      %mul3A_77 = arith.constant 2.75573188E-6 : f32
      %mul3A_78 = vector.broadcast %mul3A_77 : f32 to vector<16xf32>
      %mul3A_79 = arith.mulf %mul3A_76, %mul3A_78 : vector<16xf32>
      %add3A_80 = arith.constant -1.98412701E-4 : f32
      %add3A_81 = vector.broadcast %add3A_80 : f32 to vector<16xf32>
      %add3A_82 = arith.addf %add3A_81, %mul3A_79 : vector<16xf32>
      %mul3A_83 = arith.mulf %mul3A_76, %add3A_82 : vector<16xf32>
      %add3A_84 = arith.constant 0.00833333377 : f32
      %add3A_85 = vector.broadcast %add3A_84 : f32 to vector<16xf32>
      %add3A_86 = arith.addf %add3A_85, %mul3A_83 : vector<16xf32>
      %mul3A_87 = arith.mulf %mul3A_76, %add3A_86 : vector<16xf32>
      %add3A_88 = arith.constant -0.166666672 : f32
      %add3A_89 = vector.broadcast %add3A_88 : f32 to vector<16xf32>
      %add3A_90 = arith.addf %add3A_89, %mul3A_87 : vector<16xf32>
      %mul3A_91 = arith.mulf %mul3A_76, %add3A_90 : vector<16xf32>
      %add3A_92 = arith.constant 1.000000e+00 : f32
      %add3A_93 = vector.broadcast %add3A_92 : f32 to vector<16xf32>
      %add3A_94 = arith.addf %add3A_93, %mul3A_91 : vector<16xf32>
      %mul3A_95 = arith.mulf %select_n3A_75, %sub3A_64 : vector<16xf32>
      %mul3A_96 = arith.mulf %mul3A_95, %add3A_94 : vector<16xf32>
      %mul3A_97 = arith.constant 8.000000e+00 : f32
      %mul3A_98 = vector.broadcast %mul3A_97 : f32 to vector<16xf32>
      %mul3A_99 = arith.mulf %mul3A_96, %mul3A_98 : vector<16xf32>
      %swap3A_100 = arith.constant 0 : index
      %swap3A_101 = tpu.vector_load %arg21[%swap3A_100] {strides = array<i32>} : memref<128xf32, #tpu.memory_space<vmem>>, vector<16xf32>,
      tpu.vector_store %arg21[%swap3A_100], %mul3A_99 {strides = array<i32>} : memref<128xf32, #tpu.memory_space<vmem>>, vector<16xf32>,
      %mul3A_102 = arith.constant 0.318309873 : f32
      %mul3A_103 = vector.broadcast %mul3A_102 : f32 to vector<16xf32>
      %mul3A_104 = arith.mulf %add3A, %mul3A_103 : vector<16xf32>
      %ge3A_105 = arith.constant 0.000000e+00 : f32
      %ge3A_106 = vector.broadcast %ge3A_105 : f32 to vector<16xf32>
      %ge3A_107 = arith.cmpf oge, %mul3A_104, %ge3A_106 : vector<16xf32>
      %jit3A_108 = arith.constant 5.000000e-01 : f32
      %jit3A_109 = arith.constant -5.000000e-01 : f32
      %broadcast_in_dim3A_110 = vector.broadcast %jit3A_108 : f32 to vector<16xf32>
      %broadcast_in_dim3A_111 = vector.broadcast %jit3A_109 : f32 to vector<16xf32>
      %select_n3A_112 = arith.select %ge3A_107, %broadcast_in_dim3A_110, %broadcast_in_dim3A_111 : vector<16xi1>, vector<16xf32>
      %add3A_113 = arith.addf %mul3A_104, %select_n3A_112 : vector<16xf32>
      %convert_element_type3A_114 = arith.fptosi %add3A_113 : vector<16xf32> to vector<16xi32>
      %convert_element_type3A_115 = arith.sitofp %convert_element_type3A_114 : vector<16xi32> to vector<16xf32>
      %mul3A_116 = arith.constant 3.14159274 : f32
      %mul3A_117 = vector.broadcast %mul3A_116 : f32 to vector<16xf32>
      %mul3A_118 = arith.mulf %convert_element_type3A_115, %mul3A_117 : vector<16xf32>
      %sub3A_119 = arith.subf %add3A, %mul3A_118 : vector<16xf32>
      %mul3A_120 = arith.constant -8.74227765E-8 : f32
      %mul3A_121 = vector.broadcast %mul3A_120 : f32 to vector<16xf32>
      %mul3A_122 = arith.mulf %convert_element_type3A_115, %mul3A_121 : vector<16xf32>
      %sub3A_123 = arith.subf %sub3A_119, %mul3A_122 : vector<16xf32>
      %and3A_124 = arith.constant 1 : i32
      %and3A_125 = vector.broadcast %and3A_124 : i32 to vector<16xi32>
      %and3A_126 = arith.andi %convert_element_type3A_114, %and3A_125 : vector<16xi32>
      %eq3A_127 = arith.constant 1 : i32
      %eq3A_128 = vector.broadcast %eq3A_127 : i32 to vector<16xi32>
      %eq3A_129 = arith.cmpi eq, %and3A_126, %eq3A_128 : vector<16xi32>
      %jit3A_130 = arith.constant -1.000000e+00 : f32
      %jit3A_131 = arith.constant 1.000000e+00 : f32
      %broadcast_in_dim3A_132 = vector.broadcast %jit3A_130 : f32 to vector<16xf32>
      %broadcast_in_dim3A_133 = vector.broadcast %jit3A_131 : f32 to vector<16xf32>
      %select_n3A_134 = arith.select %eq3A_129, %broadcast_in_dim3A_132, %broadcast_in_dim3A_133 : vector<16xi1>, vector<16xf32>
      %mul3A_135 = arith.mulf %sub3A_123, %sub3A_123 : vector<16xf32>
      %mul3A_136 = arith.constant -2.755732E-7 : f32
      %mul3A_137 = vector.broadcast %mul3A_136 : f32 to vector<16xf32>
      %mul3A_138 = arith.mulf %mul3A_135, %mul3A_137 : vector<16xf32>
      %add3A_139 = arith.constant 2.48015876E-5 : f32
      %add3A_140 = vector.broadcast %add3A_139 : f32 to vector<16xf32>
      %add3A_141 = arith.addf %add3A_140, %mul3A_138 : vector<16xf32>
      %mul3A_142 = arith.mulf %mul3A_135, %add3A_141 : vector<16xf32>
      %add3A_143 = arith.constant -0.00138888892 : f32
      %add3A_144 = vector.broadcast %add3A_143 : f32 to vector<16xf32>
      %add3A_145 = arith.addf %add3A_144, %mul3A_142 : vector<16xf32>
      %mul3A_146 = arith.mulf %mul3A_135, %add3A_145 : vector<16xf32>
      %add3A_147 = arith.constant 0.0416666679 : f32
      %add3A_148 = vector.broadcast %add3A_147 : f32 to vector<16xf32>
      %add3A_149 = arith.addf %add3A_148, %mul3A_146 : vector<16xf32>
      %mul3A_150 = arith.mulf %mul3A_135, %add3A_149 : vector<16xf32>
      %add3A_151 = arith.constant -5.000000e-01 : f32
      %add3A_152 = vector.broadcast %add3A_151 : f32 to vector<16xf32>
      %add3A_153 = arith.addf %add3A_152, %mul3A_150 : vector<16xf32>
      %mul3A_154 = arith.mulf %mul3A_135, %add3A_153 : vector<16xf32>
      %add3A_155 = arith.constant 1.000000e+00 : f32
      %add3A_156 = vector.broadcast %add3A_155 : f32 to vector<16xf32>
      %add3A_157 = arith.addf %add3A_156, %mul3A_154 : vector<16xf32>
      %mul3A_158 = arith.mulf %select_n3A_134, %add3A_157 : vector<16xf32>
      %mul3A_159 = arith.constant 8.000000e+00 : f32
      %mul3A_160 = vector.broadcast %mul3A_159 : f32 to vector<16xf32>
      %mul3A_161 = arith.mulf %mul3A_158, %mul3A_160 : vector<16xf32>
      %swap3A_162 = arith.constant 64 : index
      %swap3A_163 = tpu.vector_load %arg21[%swap3A_162] {strides = array<i32>} : memref<128xf32, #tpu.memory_space<vmem>>, vector<16xf32>,
      tpu.vector_store %arg21[%swap3A_162], %mul3A_161 {strides = array<i32>} : memref<128xf32, #tpu.memory_space<vmem>>, vector<16xf32>,
      %get3A_164 = arith.constant 16 : index
      %get3A_165 = tpu.vector_load %arg14[%get3A_164] {strides = array<i32>} : memref<64xf32, #tpu.memory_space<vmem>>, vector<16xf32>,
      %mul3A_166 = arith.mulf %sub3A, %get3A_165 : vector<16xf32>
      %get3A_167 = arith.constant 16 : index
      %get3A_168 = tpu.vector_load %arg15[%get3A_167] {strides = array<i32>} : memref<64xf32, #tpu.memory_space<vmem>>, vector<16xf32>,
      %add3A_169 = arith.addf %mul3A_166, %get3A_168 : vector<16xf32>
      %mul3A_170 = arith.constant 0.318309873 : f32
      %mul3A_171 = vector.broadcast %mul3A_170 : f32 to vector<16xf32>
      %mul3A_172 = arith.mulf %add3A_169, %mul3A_171 : vector<16xf32>
      %ge3A_173 = arith.constant 0.000000e+00 : f32
      %ge3A_174 = vector.broadcast %ge3A_173 : f32 to vector<16xf32>
      %ge3A_175 = arith.cmpf oge, %mul3A_172, %ge3A_174 : vector<16xf32>
      %jit3A_176 = arith.constant 5.000000e-01 : f32
      %jit3A_177 = arith.constant -5.000000e-01 : f32
      %broadcast_in_dim3A_178 = vector.broadcast %jit3A_176 : f32 to vector<16xf32>
      %broadcast_in_dim3A_179 = vector.broadcast %jit3A_177 : f32 to vector<16xf32>
      %select_n3A_180 = arith.select %ge3A_175, %broadcast_in_dim3A_178, %broadcast_in_dim3A_179 : vector<16xi1>, vector<16xf32>
      %add3A_181 = arith.addf %mul3A_172, %select_n3A_180 : vector<16xf32>
      %convert_element_type3A_182 = arith.fptosi %add3A_181 : vector<16xf32> to vector<16xi32>
      %convert_element_type3A_183 = arith.sitofp %convert_element_type3A_182 : vector<16xi32> to vector<16xf32>
      %mul3A_184 = arith.constant 3.14159274 : f32
      %mul3A_185 = vector.broadcast %mul3A_184 : f32 to vector<16xf32>
      %mul3A_186 = arith.mulf %convert_element_type3A_183, %mul3A_185 : vector<16xf32>
      %sub3A_187 = arith.subf %add3A_169, %mul3A_186 : vector<16xf32>
      %mul3A_188 = arith.constant -8.74227765E-8 : f32
      %mul3A_189 = vector.broadcast %mul3A_188 : f32 to vector<16xf32>
      %mul3A_190 = arith.mulf %convert_element_type3A_183, %mul3A_189 : vector<16xf32>
      %sub3A_191 = arith.subf %sub3A_187, %mul3A_190 : vector<16xf32>
      %and3A_192 = arith.constant 1 : i32
      %and3A_193 = vector.broadcast %and3A_192 : i32 to vector<16xi32>
      %and3A_194 = arith.andi %convert_element_type3A_182, %and3A_193 : vector<16xi32>
      %eq3A_195 = arith.constant 1 : i32
      %eq3A_196 = vector.broadcast %eq3A_195 : i32 to vector<16xi32>
      %eq3A_197 = arith.cmpi eq, %and3A_194, %eq3A_196 : vector<16xi32>
      %jit3A_198 = arith.constant -1.000000e+00 : f32
      %jit3A_199 = arith.constant 1.000000e+00 : f32
      %broadcast_in_dim3A_200 = vector.broadcast %jit3A_198 : f32 to vector<16xf32>
      %broadcast_in_dim3A_201 = vector.broadcast %jit3A_199 : f32 to vector<16xf32>
      %select_n3A_202 = arith.select %eq3A_197, %broadcast_in_dim3A_200, %broadcast_in_dim3A_201 : vector<16xi1>, vector<16xf32>
      %mul3A_203 = arith.mulf %sub3A_191, %sub3A_191 : vector<16xf32>
      %mul3A_204 = arith.constant 2.75573188E-6 : f32
      %mul3A_205 = vector.broadcast %mul3A_204 : f32 to vector<16xf32>
      %mul3A_206 = arith.mulf %mul3A_203, %mul3A_205 : vector<16xf32>
      %add3A_207 = arith.constant -1.98412701E-4 : f32
      %add3A_208 = vector.broadcast %add3A_207 : f32 to vector<16xf32>
      %add3A_209 = arith.addf %add3A_208, %mul3A_206 : vector<16xf32>
      %mul3A_210 = arith.mulf %mul3A_203, %add3A_209 : vector<16xf32>
      %add3A_211 = arith.constant 0.00833333377 : f32
      %add3A_212 = vector.broadcast %add3A_211 : f32 to vector<16xf32>
      %add3A_213 = arith.addf %add3A_212, %mul3A_210 : vector<16xf32>
      %mul3A_214 = arith.mulf %mul3A_203, %add3A_213 : vector<16xf32>
      %add3A_215 = arith.constant -0.166666672 : f32
      %add3A_216 = vector.broadcast %add3A_215 : f32 to vector<16xf32>
      %add3A_217 = arith.addf %add3A_216, %mul3A_214 : vector<16xf32>
      %mul3A_218 = arith.mulf %mul3A_203, %add3A_217 : vector<16xf32>
      %add3A_219 = arith.constant 1.000000e+00 : f32
      %add3A_220 = vector.broadcast %add3A_219 : f32 to vector<16xf32>
      %add3A_221 = arith.addf %add3A_220, %mul3A_218 : vector<16xf32>
      %mul3A_222 = arith.mulf %select_n3A_202, %sub3A_191 : vector<16xf32>
      %mul3A_223 = arith.mulf %mul3A_222, %add3A_221 : vector<16xf32>
      %mul3A_224 = arith.constant 8.000000e+00 : f32
      %mul3A_225 = vector.broadcast %mul3A_224 : f32 to vector<16xf32>
      %mul3A_226 = arith.mulf %mul3A_223, %mul3A_225 : vector<16xf32>
      %swap3A_227 = arith.constant 16 : index
      %swap3A_228 = tpu.vector_load %arg21[%swap3A_227] {strides = array<i32>} : memref<128xf32, #tpu.memory_space<vmem>>, vector<16xf32>,
      tpu.vector_store %arg21[%swap3A_227], %mul3A_226 {strides = array<i32>} : memref<128xf32, #tpu.memory_space<vmem>>, vector<16xf32>,
      %mul3A_229 = arith.constant 0.318309873 : f32
      %mul3A_230 = vector.broadcast %mul3A_229 : f32 to vector<16xf32>
      %mul3A_231 = arith.mulf %add3A_169, %mul3A_230 : vector<16xf32>
      %ge3A_232 = arith.constant 0.000000e+00 : f32
      %ge3A_233 = vector.broadcast %ge3A_232 : f32 to vector<16xf32>
      %ge3A_234 = arith.cmpf oge, %mul3A_231, %ge3A_233 : vector<16xf32>
      %jit3A_235 = arith.constant 5.000000e-01 : f32
      %jit3A_236 = arith.constant -5.000000e-01 : f32
      %broadcast_in_dim3A_237 = vector.broadcast %jit3A_235 : f32 to vector<16xf32>
      %broadcast_in_dim3A_238 = vector.broadcast %jit3A_236 : f32 to vector<16xf32>
      %select_n3A_239 = arith.select %ge3A_234, %broadcast_in_dim3A_237, %broadcast_in_dim3A_238 : vector<16xi1>, vector<16xf32>
      %add3A_240 = arith.addf %mul3A_231, %select_n3A_239 : vector<16xf32>
      %convert_element_type3A_241 = arith.fptosi %add3A_240 : vector<16xf32> to vector<16xi32>
      %convert_element_type3A_242 = arith.sitofp %convert_element_type3A_241 : vector<16xi32> to vector<16xf32>
      %mul3A_243 = arith.constant 3.14159274 : f32
      %mul3A_244 = vector.broadcast %mul3A_243 : f32 to vector<16xf32>
      %mul3A_245 = arith.mulf %convert_element_type3A_242, %mul3A_244 : vector<16xf32>
      %sub3A_246 = arith.subf %add3A_169, %mul3A_245 : vector<16xf32>
      %mul3A_247 = arith.constant -8.74227765E-8 : f32
      %mul3A_248 = vector.broadcast %mul3A_247 : f32 to vector<16xf32>
      %mul3A_249 = arith.mulf %convert_element_type3A_242, %mul3A_248 : vector<16xf32>
      %sub3A_250 = arith.subf %sub3A_246, %mul3A_249 : vector<16xf32>
      %and3A_251 = arith.constant 1 : i32
      %and3A_252 = vector.broadcast %and3A_251 : i32 to vector<16xi32>
      %and3A_253 = arith.andi %convert_element_type3A_241, %and3A_252 : vector<16xi32>
      %eq3A_254 = arith.constant 1 : i32
      %eq3A_255 = vector.broadcast %eq3A_254 : i32 to vector<16xi32>
      %eq3A_256 = arith.cmpi eq, %and3A_253, %eq3A_255 : vector<16xi32>
      %jit3A_257 = arith.constant -1.000000e+00 : f32
      %jit3A_258 = arith.constant 1.000000e+00 : f32
      %broadcast_in_dim3A_259 = vector.broadcast %jit3A_257 : f32 to vector<16xf32>
      %broadcast_in_dim3A_260 = vector.broadcast %jit3A_258 : f32 to vector<16xf32>
      %select_n3A_261 = arith.select %eq3A_256, %broadcast_in_dim3A_259, %broadcast_in_dim3A_260 : vector<16xi1>, vector<16xf32>
      %mul3A_262 = arith.mulf %sub3A_250, %sub3A_250 : vector<16xf32>
      %mul3A_263 = arith.constant -2.755732E-7 : f32
      %mul3A_264 = vector.broadcast %mul3A_263 : f32 to vector<16xf32>
      %mul3A_265 = arith.mulf %mul3A_262, %mul3A_264 : vector<16xf32>
      %add3A_266 = arith.constant 2.48015876E-5 : f32
      %add3A_267 = vector.broadcast %add3A_266 : f32 to vector<16xf32>
      %add3A_268 = arith.addf %add3A_267, %mul3A_265 : vector<16xf32>
      %mul3A_269 = arith.mulf %mul3A_262, %add3A_268 : vector<16xf32>
      %add3A_270 = arith.constant -0.00138888892 : f32
      %add3A_271 = vector.broadcast %add3A_270 : f32 to vector<16xf32>
      %add3A_272 = arith.addf %add3A_271, %mul3A_269 : vector<16xf32>
      %mul3A_273 = arith.mulf %mul3A_262, %add3A_272 : vector<16xf32>
      %add3A_274 = arith.constant 0.0416666679 : f32
      %add3A_275 = vector.broadcast %add3A_274 : f32 to vector<16xf32>
      %add3A_276 = arith.addf %add3A_275, %mul3A_273 : vector<16xf32>
      %mul3A_277 = arith.mulf %mul3A_262, %add3A_276 : vector<16xf32>
      %add3A_278 = arith.constant -5.000000e-01 : f32
      %add3A_279 = vector.broadcast %add3A_278 : f32 to vector<16xf32>
      %add3A_280 = arith.addf %add3A_279, %mul3A_277 : vector<16xf32>
      %mul3A_281 = arith.mulf %mul3A_262, %add3A_280 : vector<16xf32>
      %add3A_282 = arith.constant 1.000000e+00 : f32
      %add3A_283 = vector.broadcast %add3A_282 : f32 to vector<16xf32>
      %add3A_284 = arith.addf %add3A_283, %mul3A_281 : vector<16xf32>
      %mul3A_285 = arith.mulf %select_n3A_261, %add3A_284 : vector<16xf32>
      %mul3A_286 = arith.constant 8.000000e+00 : f32
      %mul3A_287 = vector.broadcast %mul3A_286 : f32 to vector<16xf32>
      %mul3A_288 = arith.mulf %mul3A_285, %mul3A_287 : vector<16xf32>
      %swap3A_289 = arith.constant 80 : index
      %swap3A_290 = tpu.vector_load %arg21[%swap3A_289] {strides = array<i32>} : memref<128xf32, #tpu.memory_space<vmem>>, vector<16xf32>,
      tpu.vector_store %arg21[%swap3A_289], %mul3A_288 {strides = array<i32>} : memref<128xf32, #tpu.memory_space<vmem>>, vector<16xf32>,
      %get3A_291 = arith.constant 32 : index
      %get3A_292 = tpu.vector_load %arg14[%get3A_291] {strides = array<i32>} : memref<64xf32, #tpu.memory_space<vmem>>, vector<16xf32>,
      %mul3A_293 = arith.mulf %sub3A, %get3A_292 : vector<16xf32>
      %get3A_294 = arith.constant 32 : index
      %get3A_295 = tpu.vector_load %arg15[%get3A_294] {strides = array<i32>} : memref<64xf32, #tpu.memory_space<vmem>>, vector<16xf32>,
      %add3A_296 = arith.addf %mul3A_293, %get3A_295 : vector<16xf32>
      %mul3A_297 = arith.constant 0.318309873 : f32
      %mul3A_298 = vector.broadcast %mul3A_297 : f32 to vector<16xf32>
      %mul3A_299 = arith.mulf %add3A_296, %mul3A_298 : vector<16xf32>
      %ge3A_300 = arith.constant 0.000000e+00 : f32
      %ge3A_301 = vector.broadcast %ge3A_300 : f32 to vector<16xf32>
      %ge3A_302 = arith.cmpf oge, %mul3A_299, %ge3A_301 : vector<16xf32>
      %jit3A_303 = arith.constant 5.000000e-01 : f32
      %jit3A_304 = arith.constant -5.000000e-01 : f32
      %broadcast_in_dim3A_305 = vector.broadcast %jit3A_303 : f32 to vector<16xf32>
      %broadcast_in_dim3A_306 = vector.broadcast %jit3A_304 : f32 to vector<16xf32>
      %select_n3A_307 = arith.select %ge3A_302, %broadcast_in_dim3A_305, %broadcast_in_dim3A_306 : vector<16xi1>, vector<16xf32>
      %add3A_308 = arith.addf %mul3A_299, %select_n3A_307 : vector<16xf32>
      %convert_element_type3A_309 = arith.fptosi %add3A_308 : vector<16xf32> to vector<16xi32>
      %convert_element_type3A_310 = arith.sitofp %convert_element_type3A_309 : vector<16xi32> to vector<16xf32>
      %mul3A_311 = arith.constant 3.14159274 : f32
      %mul3A_312 = vector.broadcast %mul3A_311 : f32 to vector<16xf32>
      %mul3A_313 = arith.mulf %convert_element_type3A_310, %mul3A_312 : vector<16xf32>
      %sub3A_314 = arith.subf %add3A_296, %mul3A_313 : vector<16xf32>
      %mul3A_315 = arith.constant -8.74227765E-8 : f32
      %mul3A_316 = vector.broadcast %mul3A_315 : f32 to vector<16xf32>
      %mul3A_317 = arith.mulf %convert_element_type3A_310, %mul3A_316 : vector<16xf32>
      %sub3A_318 = arith.subf %sub3A_314, %mul3A_317 : vector<16xf32>
      %and3A_319 = arith.constant 1 : i32
      %and3A_320 = vector.broadcast %and3A_319 : i32 to vector<16xi32>
      %and3A_321 = arith.andi %convert_element_type3A_309, %and3A_320 : vector<16xi32>
      %eq3A_322 = arith.constant 1 : i32
      %eq3A_323 = vector.broadcast %eq3A_322 : i32 to vector<16xi32>
      %eq3A_324 = arith.cmpi eq, %and3A_321, %eq3A_323 : vector<16xi32>
      %jit3A_325 = arith.constant -1.000000e+00 : f32
      %jit3A_326 = arith.constant 1.000000e+00 : f32
      %broadcast_in_dim3A_327 = vector.broadcast %jit3A_325 : f32 to vector<16xf32>
      %broadcast_in_dim3A_328 = vector.broadcast %jit3A_326 : f32 to vector<16xf32>
      %select_n3A_329 = arith.select %eq3A_324, %broadcast_in_dim3A_327, %broadcast_in_dim3A_328 : vector<16xi1>, vector<16xf32>
      %mul3A_330 = arith.mulf %sub3A_318, %sub3A_318 : vector<16xf32>
      %mul3A_331 = arith.constant 2.75573188E-6 : f32
      %mul3A_332 = vector.broadcast %mul3A_331 : f32 to vector<16xf32>
      %mul3A_333 = arith.mulf %mul3A_330, %mul3A_332 : vector<16xf32>
      %add3A_334 = arith.constant -1.98412701E-4 : f32
      %add3A_335 = vector.broadcast %add3A_334 : f32 to vector<16xf32>
      %add3A_336 = arith.addf %add3A_335, %mul3A_333 : vector<16xf32>
      %mul3A_337 = arith.mulf %mul3A_330, %add3A_336 : vector<16xf32>
      %add3A_338 = arith.constant 0.00833333377 : f32
      %add3A_339 = vector.broadcast %add3A_338 : f32 to vector<16xf32>
      %add3A_340 = arith.addf %add3A_339, %mul3A_337 : vector<16xf32>
      %mul3A_341 = arith.mulf %mul3A_330, %add3A_340 : vector<16xf32>
      %add3A_342 = arith.constant -0.166666672 : f32
      %add3A_343 = vector.broadcast %add3A_342 : f32 to vector<16xf32>
      %add3A_344 = arith.addf %add3A_343, %mul3A_341 : vector<16xf32>
      %mul3A_345 = arith.mulf %mul3A_330, %add3A_344 : vector<16xf32>
      %add3A_346 = arith.constant 1.000000e+00 : f32
      %add3A_347 = vector.broadcast %add3A_346 : f32 to vector<16xf32>
      %add3A_348 = arith.addf %add3A_347, %mul3A_345 : vector<16xf32>
      %mul3A_349 = arith.mulf %select_n3A_329, %sub3A_318 : vector<16xf32>
      %mul3A_350 = arith.mulf %mul3A_349, %add3A_348 : vector<16xf32>
      %mul3A_351 = arith.constant 8.000000e+00 : f32
      %mul3A_352 = vector.broadcast %mul3A_351 : f32 to vector<16xf32>
      %mul3A_353 = arith.mulf %mul3A_350, %mul3A_352 : vector<16xf32>
      %swap3A_354 = arith.constant 32 : index
      %swap3A_355 = tpu.vector_load %arg21[%swap3A_354] {strides = array<i32>} : memref<128xf32, #tpu.memory_space<vmem>>, vector<16xf32>,
      tpu.vector_store %arg21[%swap3A_354], %mul3A_353 {strides = array<i32>} : memref<128xf32, #tpu.memory_space<vmem>>, vector<16xf32>,
      %mul3A_356 = arith.constant 0.318309873 : f32
      %mul3A_357 = vector.broadcast %mul3A_356 : f32 to vector<16xf32>
      %mul3A_358 = arith.mulf %add3A_296, %mul3A_357 : vector<16xf32>
      %ge3A_359 = arith.constant 0.000000e+00 : f32
      %ge3A_360 = vector.broadcast %ge3A_359 : f32 to vector<16xf32>
      %ge3A_361 = arith.cmpf oge, %mul3A_358, %ge3A_360 : vector<16xf32>
      %jit3A_362 = arith.constant 5.000000e-01 : f32
      %jit3A_363 = arith.constant -5.000000e-01 : f32
      %broadcast_in_dim3A_364 = vector.broadcast %jit3A_362 : f32 to vector<16xf32>
      %broadcast_in_dim3A_365 = vector.broadcast %jit3A_363 : f32 to vector<16xf32>
      %select_n3A_366 = arith.select %ge3A_361, %broadcast_in_dim3A_364, %broadcast_in_dim3A_365 : vector<16xi1>, vector<16xf32>
      %add3A_367 = arith.addf %mul3A_358, %select_n3A_366 : vector<16xf32>
      %convert_element_type3A_368 = arith.fptosi %add3A_367 : vector<16xf32> to vector<16xi32>
      %convert_element_type3A_369 = arith.sitofp %convert_element_type3A_368 : vector<16xi32> to vector<16xf32>
      %mul3A_370 = arith.constant 3.14159274 : f32
      %mul3A_371 = vector.broadcast %mul3A_370 : f32 to vector<16xf32>
      %mul3A_372 = arith.mulf %convert_element_type3A_369, %mul3A_371 : vector<16xf32>
      %sub3A_373 = arith.subf %add3A_296, %mul3A_372 : vector<16xf32>
      %mul3A_374 = arith.constant -8.74227765E-8 : f32
      %mul3A_375 = vector.broadcast %mul3A_374 : f32 to vector<16xf32>
      %mul3A_376 = arith.mulf %convert_element_type3A_369, %mul3A_375 : vector<16xf32>
      %sub3A_377 = arith.subf %sub3A_373, %mul3A_376 : vector<16xf32>
      %and3A_378 = arith.constant 1 : i32
      %and3A_379 = vector.broadcast %and3A_378 : i32 to vector<16xi32>
      %and3A_380 = arith.andi %convert_element_type3A_368, %and3A_379 : vector<16xi32>
      %eq3A_381 = arith.constant 1 : i32
      %eq3A_382 = vector.broadcast %eq3A_381 : i32 to vector<16xi32>
      %eq3A_383 = arith.cmpi eq, %and3A_380, %eq3A_382 : vector<16xi32>
      %jit3A_384 = arith.constant -1.000000e+00 : f32
      %jit3A_385 = arith.constant 1.000000e+00 : f32
      %broadcast_in_dim3A_386 = vector.broadcast %jit3A_384 : f32 to vector<16xf32>
      %broadcast_in_dim3A_387 = vector.broadcast %jit3A_385 : f32 to vector<16xf32>
      %select_n3A_388 = arith.select %eq3A_383, %broadcast_in_dim3A_386, %broadcast_in_dim3A_387 : vector<16xi1>, vector<16xf32>
      %mul3A_389 = arith.mulf %sub3A_377, %sub3A_377 : vector<16xf32>
      %mul3A_390 = arith.constant -2.755732E-7 : f32
      %mul3A_391 = vector.broadcast %mul3A_390 : f32 to vector<16xf32>
      %mul3A_392 = arith.mulf %mul3A_389, %mul3A_391 : vector<16xf32>
      %add3A_393 = arith.constant 2.48015876E-5 : f32
      %add3A_394 = vector.broadcast %add3A_393 : f32 to vector<16xf32>
      %add3A_395 = arith.addf %add3A_394, %mul3A_392 : vector<16xf32>
      %mul3A_396 = arith.mulf %mul3A_389, %add3A_395 : vector<16xf32>
      %add3A_397 = arith.constant -0.00138888892 : f32
      %add3A_398 = vector.broadcast %add3A_397 : f32 to vector<16xf32>
      %add3A_399 = arith.addf %add3A_398, %mul3A_396 : vector<16xf32>
      %mul3A_400 = arith.mulf %mul3A_389, %add3A_399 : vector<16xf32>
      %add3A_401 = arith.constant 0.0416666679 : f32
      %add3A_402 = vector.broadcast %add3A_401 : f32 to vector<16xf32>
      %add3A_403 = arith.addf %add3A_402, %mul3A_400 : vector<16xf32>
      %mul3A_404 = arith.mulf %mul3A_389, %add3A_403 : vector<16xf32>
      %add3A_405 = arith.constant -5.000000e-01 : f32
      %add3A_406 = vector.broadcast %add3A_405 : f32 to vector<16xf32>
      %add3A_407 = arith.addf %add3A_406, %mul3A_404 : vector<16xf32>
      %mul3A_408 = arith.mulf %mul3A_389, %add3A_407 : vector<16xf32>
      %add3A_409 = arith.constant 1.000000e+00 : f32
      %add3A_410 = vector.broadcast %add3A_409 : f32 to vector<16xf32>
      %add3A_411 = arith.addf %add3A_410, %mul3A_408 : vector<16xf32>
      %mul3A_412 = arith.mulf %select_n3A_388, %add3A_411 : vector<16xf32>
      %mul3A_413 = arith.constant 8.000000e+00 : f32
      %mul3A_414 = vector.broadcast %mul3A_413 : f32 to vector<16xf32>
      %mul3A_415 = arith.mulf %mul3A_412, %mul3A_414 : vector<16xf32>
      %swap3A_416 = arith.constant 96 : index
      %swap3A_417 = tpu.vector_load %arg21[%swap3A_416] {strides = array<i32>} : memref<128xf32, #tpu.memory_space<vmem>>, vector<16xf32>,
      tpu.vector_store %arg21[%swap3A_416], %mul3A_415 {strides = array<i32>} : memref<128xf32, #tpu.memory_space<vmem>>, vector<16xf32>,
      %get3A_418 = arith.constant 48 : index
      %get3A_419 = tpu.vector_load %arg14[%get3A_418] {strides = array<i32>} : memref<64xf32, #tpu.memory_space<vmem>>, vector<16xf32>,
      %mul3A_420 = arith.mulf %sub3A, %get3A_419 : vector<16xf32>
      %get3A_421 = arith.constant 48 : index
      %get3A_422 = tpu.vector_load %arg15[%get3A_421] {strides = array<i32>} : memref<64xf32, #tpu.memory_space<vmem>>, vector<16xf32>,
      %add3A_423 = arith.addf %mul3A_420, %get3A_422 : vector<16xf32>
      %mul3A_424 = arith.constant 0.318309873 : f32
      %mul3A_425 = vector.broadcast %mul3A_424 : f32 to vector<16xf32>
      %mul3A_426 = arith.mulf %add3A_423, %mul3A_425 : vector<16xf32>
      %ge3A_427 = arith.constant 0.000000e+00 : f32
      %ge3A_428 = vector.broadcast %ge3A_427 : f32 to vector<16xf32>
      %ge3A_429 = arith.cmpf oge, %mul3A_426, %ge3A_428 : vector<16xf32>
      %jit3A_430 = arith.constant 5.000000e-01 : f32
      %jit3A_431 = arith.constant -5.000000e-01 : f32
      %broadcast_in_dim3A_432 = vector.broadcast %jit3A_430 : f32 to vector<16xf32>
      %broadcast_in_dim3A_433 = vector.broadcast %jit3A_431 : f32 to vector<16xf32>
      %select_n3A_434 = arith.select %ge3A_429, %broadcast_in_dim3A_432, %broadcast_in_dim3A_433 : vector<16xi1>, vector<16xf32>
      %add3A_435 = arith.addf %mul3A_426, %select_n3A_434 : vector<16xf32>
      %convert_element_type3A_436 = arith.fptosi %add3A_435 : vector<16xf32> to vector<16xi32>
      %convert_element_type3A_437 = arith.sitofp %convert_element_type3A_436 : vector<16xi32> to vector<16xf32>
      %mul3A_438 = arith.constant 3.14159274 : f32
      %mul3A_439 = vector.broadcast %mul3A_438 : f32 to vector<16xf32>
      %mul3A_440 = arith.mulf %convert_element_type3A_437, %mul3A_439 : vector<16xf32>
      %sub3A_441 = arith.subf %add3A_423, %mul3A_440 : vector<16xf32>
      %mul3A_442 = arith.constant -8.74227765E-8 : f32
      %mul3A_443 = vector.broadcast %mul3A_442 : f32 to vector<16xf32>
      %mul3A_444 = arith.mulf %convert_element_type3A_437, %mul3A_443 : vector<16xf32>
      %sub3A_445 = arith.subf %sub3A_441, %mul3A_444 : vector<16xf32>
      %and3A_446 = arith.constant 1 : i32
      %and3A_447 = vector.broadcast %and3A_446 : i32 to vector<16xi32>
      %and3A_448 = arith.andi %convert_element_type3A_436, %and3A_447 : vector<16xi32>
      %eq3A_449 = arith.constant 1 : i32
      %eq3A_450 = vector.broadcast %eq3A_449 : i32 to vector<16xi32>
      %eq3A_451 = arith.cmpi eq, %and3A_448, %eq3A_450 : vector<16xi32>
      %jit3A_452 = arith.constant -1.000000e+00 : f32
      %jit3A_453 = arith.constant 1.000000e+00 : f32
      %broadcast_in_dim3A_454 = vector.broadcast %jit3A_452 : f32 to vector<16xf32>
      %broadcast_in_dim3A_455 = vector.broadcast %jit3A_453 : f32 to vector<16xf32>
      %select_n3A_456 = arith.select %eq3A_451, %broadcast_in_dim3A_454, %broadcast_in_dim3A_455 : vector<16xi1>, vector<16xf32>
      %mul3A_457 = arith.mulf %sub3A_445, %sub3A_445 : vector<16xf32>
      %mul3A_458 = arith.constant 2.75573188E-6 : f32
      %mul3A_459 = vector.broadcast %mul3A_458 : f32 to vector<16xf32>
      %mul3A_460 = arith.mulf %mul3A_457, %mul3A_459 : vector<16xf32>
      %add3A_461 = arith.constant -1.98412701E-4 : f32
      %add3A_462 = vector.broadcast %add3A_461 : f32 to vector<16xf32>
      %add3A_463 = arith.addf %add3A_462, %mul3A_460 : vector<16xf32>
      %mul3A_464 = arith.mulf %mul3A_457, %add3A_463 : vector<16xf32>
      %add3A_465 = arith.constant 0.00833333377 : f32
      %add3A_466 = vector.broadcast %add3A_465 : f32 to vector<16xf32>
      %add3A_467 = arith.addf %add3A_466, %mul3A_464 : vector<16xf32>
      %mul3A_468 = arith.mulf %mul3A_457, %add3A_467 : vector<16xf32>
      %add3A_469 = arith.constant -0.166666672 : f32
      %add3A_470 = vector.broadcast %add3A_469 : f32 to vector<16xf32>
      %add3A_471 = arith.addf %add3A_470, %mul3A_468 : vector<16xf32>
      %mul3A_472 = arith.mulf %mul3A_457, %add3A_471 : vector<16xf32>
      %add3A_473 = arith.constant 1.000000e+00 : f32
      %add3A_474 = vector.broadcast %add3A_473 : f32 to vector<16xf32>
      %add3A_475 = arith.addf %add3A_474, %mul3A_472 : vector<16xf32>
      %mul3A_476 = arith.mulf %select_n3A_456, %sub3A_445 : vector<16xf32>
      %mul3A_477 = arith.mulf %mul3A_476, %add3A_475 : vector<16xf32>
      %mul3A_478 = arith.constant 8.000000e+00 : f32
      %mul3A_479 = vector.broadcast %mul3A_478 : f32 to vector<16xf32>
      %mul3A_480 = arith.mulf %mul3A_477, %mul3A_479 : vector<16xf32>
      %swap3A_481 = arith.constant 48 : index
      %swap3A_482 = tpu.vector_load %arg21[%swap3A_481] {strides = array<i32>} : memref<128xf32, #tpu.memory_space<vmem>>, vector<16xf32>,
      tpu.vector_store %arg21[%swap3A_481], %mul3A_480 {strides = array<i32>} : memref<128xf32, #tpu.memory_space<vmem>>, vector<16xf32>,
      %mul3A_483 = arith.constant 0.318309873 : f32
      %mul3A_484 = vector.broadcast %mul3A_483 : f32 to vector<16xf32>
      %mul3A_485 = arith.mulf %add3A_423, %mul3A_484 : vector<16xf32>
      %ge3A_486 = arith.constant 0.000000e+00 : f32
      %ge3A_487 = vector.broadcast %ge3A_486 : f32 to vector<16xf32>
      %ge3A_488 = arith.cmpf oge, %mul3A_485, %ge3A_487 : vector<16xf32>
      %jit3A_489 = arith.constant 5.000000e-01 : f32
      %jit3A_490 = arith.constant -5.000000e-01 : f32
      %broadcast_in_dim3A_491 = vector.broadcast %jit3A_489 : f32 to vector<16xf32>
      %broadcast_in_dim3A_492 = vector.broadcast %jit3A_490 : f32 to vector<16xf32>
      %select_n3A_493 = arith.select %ge3A_488, %broadcast_in_dim3A_491, %broadcast_in_dim3A_492 : vector<16xi1>, vector<16xf32>
      %add3A_494 = arith.addf %mul3A_485, %select_n3A_493 : vector<16xf32>
      %convert_element_type3A_495 = arith.fptosi %add3A_494 : vector<16xf32> to vector<16xi32>
      %convert_element_type3A_496 = arith.sitofp %convert_element_type3A_495 : vector<16xi32> to vector<16xf32>
      %mul3A_497 = arith.constant 3.14159274 : f32
      %mul3A_498 = vector.broadcast %mul3A_497 : f32 to vector<16xf32>
      %mul3A_499 = arith.mulf %convert_element_type3A_496, %mul3A_498 : vector<16xf32>
      %sub3A_500 = arith.subf %add3A_423, %mul3A_499 : vector<16xf32>
      %mul3A_501 = arith.constant -8.74227765E-8 : f32
      %mul3A_502 = vector.broadcast %mul3A_501 : f32 to vector<16xf32>
      %mul3A_503 = arith.mulf %convert_element_type3A_496, %mul3A_502 : vector<16xf32>
      %sub3A_504 = arith.subf %sub3A_500, %mul3A_503 : vector<16xf32>
      %and3A_505 = arith.constant 1 : i32
      %and3A_506 = vector.broadcast %and3A_505 : i32 to vector<16xi32>
      %and3A_507 = arith.andi %convert_element_type3A_495, %and3A_506 : vector<16xi32>
      %eq3A_508 = arith.constant 1 : i32
      %eq3A_509 = vector.broadcast %eq3A_508 : i32 to vector<16xi32>
      %eq3A_510 = arith.cmpi eq, %and3A_507, %eq3A_509 : vector<16xi32>
      %jit3A_511 = arith.constant -1.000000e+00 : f32
      %jit3A_512 = arith.constant 1.000000e+00 : f32
      %broadcast_in_dim3A_513 = vector.broadcast %jit3A_511 : f32 to vector<16xf32>
      %broadcast_in_dim3A_514 = vector.broadcast %jit3A_512 : f32 to vector<16xf32>
      %select_n3A_515 = arith.select %eq3A_510, %broadcast_in_dim3A_513, %broadcast_in_dim3A_514 : vector<16xi1>, vector<16xf32>
      %mul3A_516 = arith.mulf %sub3A_504, %sub3A_504 : vector<16xf32>
      %mul3A_517 = arith.constant -2.755732E-7 : f32
      %mul3A_518 = vector.broadcast %mul3A_517 : f32 to vector<16xf32>
      %mul3A_519 = arith.mulf %mul3A_516, %mul3A_518 : vector<16xf32>
      %add3A_520 = arith.constant 2.48015876E-5 : f32
      %add3A_521 = vector.broadcast %add3A_520 : f32 to vector<16xf32>
      %add3A_522 = arith.addf %add3A_521, %mul3A_519 : vector<16xf32>
      %mul3A_523 = arith.mulf %mul3A_516, %add3A_522 : vector<16xf32>
      %add3A_524 = arith.constant -0.00138888892 : f32
      %add3A_525 = vector.broadcast %add3A_524 : f32 to vector<16xf32>
      %add3A_526 = arith.addf %add3A_525, %mul3A_523 : vector<16xf32>
      %mul3A_527 = arith.mulf %mul3A_516, %add3A_526 : vector<16xf32>
      %add3A_528 = arith.constant 0.0416666679 : f32
      %add3A_529 = vector.broadcast %add3A_528 : f32 to vector<16xf32>
      %add3A_530 = arith.addf %add3A_529, %mul3A_527 : vector<16xf32>
      %mul3A_531 = arith.mulf %mul3A_516, %add3A_530 : vector<16xf32>
      %add3A_532 = arith.constant -5.000000e-01 : f32
      %add3A_533 = vector.broadcast %add3A_532 : f32 to vector<16xf32>
      %add3A_534 = arith.addf %add3A_533, %mul3A_531 : vector<16xf32>
      %mul3A_535 = arith.mulf %mul3A_516, %add3A_534 : vector<16xf32>
      %add3A_536 = arith.constant 1.000000e+00 : f32
      %add3A_537 = vector.broadcast %add3A_536 : f32 to vector<16xf32>
      %add3A_538 = arith.addf %add3A_537, %mul3A_535 : vector<16xf32>
      %mul3A_539 = arith.mulf %select_n3A_515, %add3A_538 : vector<16xf32>
      %mul3A_540 = arith.constant 8.000000e+00 : f32
      %mul3A_541 = vector.broadcast %mul3A_540 : f32 to vector<16xf32>
      %mul3A_542 = arith.mulf %mul3A_539, %mul3A_541 : vector<16xf32>
      %swap3A_543 = arith.constant 112 : index
      %swap3A_544 = tpu.vector_load %arg21[%swap3A_543] {strides = array<i32>} : memref<128xf32, #tpu.memory_space<vmem>>, vector<16xf32>,
      tpu.vector_store %arg21[%swap3A_543], %mul3A_542 {strides = array<i32>} : memref<128xf32, #tpu.memory_space<vmem>>, vector<16xf32>,
      tpu.wait_dma2 semaphore(%arg26 : memref<!tpu.dma_semaphore, #tpu.memory_space<semaphore_mem>>) src(%arg7 : memref<128x128xf32, #tpu.memory_space<hbm>>) dst(%arg16 : memref<128x128xf32, #tpu.memory_space<vmem>>)
      %broadcast_in_dim3A_545 = arith.constant 0.000000e+00 : f32
      %broadcast_in_dim3A_546 = vector.broadcast %broadcast_in_dim3A_545 : f32 to vector<16xf32>
      %broadcast_in_dim3A_547 = arith.constant 0.000000e+00 : f32
      %broadcast_in_dim3A_548 = vector.broadcast %broadcast_in_dim3A_547 : f32 to vector<16xf32>
      %broadcast_in_dim3A_549 = arith.constant 0.000000e+00 : f32
      %broadcast_in_dim3A_550 = vector.broadcast %broadcast_in_dim3A_549 : f32 to vector<16xf32>
      %broadcast_in_dim3A_551 = arith.constant 0.000000e+00 : f32
      %broadcast_in_dim3A_552 = vector.broadcast %broadcast_in_dim3A_551 : f32 to vector<16xf32>
      %broadcast_in_dim3A_553 = arith.constant 0.000000e+00 : f32
      %broadcast_in_dim3A_554 = vector.broadcast %broadcast_in_dim3A_553 : f32 to vector<16xf32>
      %broadcast_in_dim3A_555 = arith.constant 0.000000e+00 : f32
      %broadcast_in_dim3A_556 = vector.broadcast %broadcast_in_dim3A_555 : f32 to vector<16xf32>
      %broadcast_in_dim3A_557 = arith.constant 0.000000e+00 : f32
      %broadcast_in_dim3A_558 = vector.broadcast %broadcast_in_dim3A_557 : f32 to vector<16xf32>
      %broadcast_in_dim3A_559 = arith.constant 0.000000e+00 : f32
      %broadcast_in_dim3A_560 = vector.broadcast %broadcast_in_dim3A_559 : f32 to vector<16xf32>
      %scan3A = arith.constant 0 : i32
      %scan3A_561 = arith.constant 32 : i32
      %scan3A_562 = arith.addi %scan3A, %scan3A_561 : i32
      %scan3A_563 = arith.constant 1 : i32
      %scan3A_564:8 = scf.for %scan3A_750 = %scan3A to %scan3A_562 step %scan3A_563 iter_args(%scan3A_751 = %broadcast_in_dim3A_546, %scan3A_752 = %broadcast_in_dim3A_548, %scan3A_753 = %broadcast_in_dim3A_550, %scan3A_754 = %broadcast_in_dim3A_552, %scan3A_755 = %broadcast_in_dim3A_554, %scan3A_756 = %broadcast_in_dim3A_556, %scan3A_757 = %broadcast_in_dim3A_558, %scan3A_758 = %broadcast_in_dim3A_560) -> (vector<16xf32>, vector<16xf32>, vector<16xf32>, vector<16xf32>, vector<16xf32>, vector<16xf32>, vector<16xf32>, vector<16xf32>)  : i32 {
        %mul3A_759 = arith.constant 4 : i32
        %mul3A_760 = arith.muli %scan3A_750, %mul3A_759 : i32
        %add3A_761 = arith.constant 0 : i32
        %add3A_762 = arith.addi %mul3A_760, %add3A_761 : i32
        %broadcast_in_dim3A_763 = vector.broadcast %add3A_762 : i32 to vector<16xi32>
        %gather3A_764 = tpu.vector_load_idx %arg21[%broadcast_in_dim3A_763] : memref<128xf32, #tpu.memory_space<vmem>>[vector<16xi32>], vector<16xf32>,
        %get3A_765 = arith.index_cast %add3A_762 : i32 to index
        %get3A_766 = arith.constant 0 : index
        %get3A_767 = tpu.vector_load %arg16[%get3A_765, %get3A_766] {strides = array<i32>} : memref<128x128xf32, #tpu.memory_space<vmem>>, vector<16xf32>,
        %mul3A_768 = arith.mulf %gather3A_764, %get3A_767 : vector<16xf32>
        %add3A_769 = arith.addf %scan3A_751, %mul3A_768 : vector<16xf32>
        %get3A_770 = arith.index_cast %add3A_762 : i32 to index
        %get3A_771 = arith.constant 16 : index
        %get3A_772 = tpu.vector_load %arg16[%get3A_770, %get3A_771] {strides = array<i32>} : memref<128x128xf32, #tpu.memory_space<vmem>>, vector<16xf32>,
        %mul3A_773 = arith.mulf %gather3A_764, %get3A_772 : vector<16xf32>
        %add3A_774 = arith.addf %scan3A_752, %mul3A_773 : vector<16xf32>
        %get3A_775 = arith.index_cast %add3A_762 : i32 to index
        %get3A_776 = arith.constant 32 : index
        %get3A_777 = tpu.vector_load %arg16[%get3A_775, %get3A_776] {strides = array<i32>} : memref<128x128xf32, #tpu.memory_space<vmem>>, vector<16xf32>,
        %mul3A_778 = arith.mulf %gather3A_764, %get3A_777 : vector<16xf32>
        %add3A_779 = arith.addf %scan3A_753, %mul3A_778 : vector<16xf32>
        %get3A_780 = arith.index_cast %add3A_762 : i32 to index
        %get3A_781 = arith.constant 48 : index
        %get3A_782 = tpu.vector_load %arg16[%get3A_780, %get3A_781] {strides = array<i32>} : memref<128x128xf32, #tpu.memory_space<vmem>>, vector<16xf32>,
        %mul3A_783 = arith.mulf %gather3A_764, %get3A_782 : vector<16xf32>
        %add3A_784 = arith.addf %scan3A_754, %mul3A_783 : vector<16xf32>
        %get3A_785 = arith.index_cast %add3A_762 : i32 to index
        %get3A_786 = arith.constant 64 : index
        %get3A_787 = tpu.vector_load %arg16[%get3A_785, %get3A_786] {strides = array<i32>} : memref<128x128xf32, #tpu.memory_space<vmem>>, vector<16xf32>,
        %mul3A_788 = arith.mulf %gather3A_764, %get3A_787 : vector<16xf32>
        %add3A_789 = arith.addf %scan3A_755, %mul3A_788 : vector<16xf32>
        %get3A_790 = arith.index_cast %add3A_762 : i32 to index
        %get3A_791 = arith.constant 80 : index
        %get3A_792 = tpu.vector_load %arg16[%get3A_790, %get3A_791] {strides = array<i32>} : memref<128x128xf32, #tpu.memory_space<vmem>>, vector<16xf32>,
        %mul3A_793 = arith.mulf %gather3A_764, %get3A_792 : vector<16xf32>
        %add3A_794 = arith.addf %scan3A_756, %mul3A_793 : vector<16xf32>
        %get3A_795 = arith.index_cast %add3A_762 : i32 to index
        %get3A_796 = arith.constant 96 : index
        %get3A_797 = tpu.vector_load %arg16[%get3A_795, %get3A_796] {strides = array<i32>} : memref<128x128xf32, #tpu.memory_space<vmem>>, vector<16xf32>,
        %mul3A_798 = arith.mulf %gather3A_764, %get3A_797 : vector<16xf32>
        %add3A_799 = arith.addf %scan3A_757, %mul3A_798 : vector<16xf32>
        %get3A_800 = arith.index_cast %add3A_762 : i32 to index
        %get3A_801 = arith.constant 112 : index
        %get3A_802 = tpu.vector_load %arg16[%get3A_800, %get3A_801] {strides = array<i32>} : memref<128x128xf32, #tpu.memory_space<vmem>>, vector<16xf32>,
        %mul3A_803 = arith.mulf %gather3A_764, %get3A_802 : vector<16xf32>
        %add3A_804 = arith.addf %scan3A_758, %mul3A_803 : vector<16xf32>
        %mul3A_805 = arith.constant 4 : i32
        %mul3A_806 = arith.muli %scan3A_750, %mul3A_805 : i32
        %add3A_807 = arith.constant 1 : i32
        %add3A_808 = arith.addi %mul3A_806, %add3A_807 : i32
        %broadcast_in_dim3A_809 = vector.broadcast %add3A_808 : i32 to vector<16xi32>
        %gather3A_810 = tpu.vector_load_idx %arg21[%broadcast_in_dim3A_809] : memref<128xf32, #tpu.memory_space<vmem>>[vector<16xi32>], vector<16xf32>,
        %get3A_811 = arith.index_cast %add3A_808 : i32 to index
        %get3A_812 = arith.constant 0 : index
        %get3A_813 = tpu.vector_load %arg16[%get3A_811, %get3A_812] {strides = array<i32>} : memref<128x128xf32, #tpu.memory_space<vmem>>, vector<16xf32>,
        %mul3A_814 = arith.mulf %gather3A_810, %get3A_813 : vector<16xf32>
        %add3A_815 = arith.addf %add3A_769, %mul3A_814 : vector<16xf32>
        %get3A_816 = arith.index_cast %add3A_808 : i32 to index
        %get3A_817 = arith.constant 16 : index
        %get3A_818 = tpu.vector_load %arg16[%get3A_816, %get3A_817] {strides = array<i32>} : memref<128x128xf32, #tpu.memory_space<vmem>>, vector<16xf32>,
        %mul3A_819 = arith.mulf %gather3A_810, %get3A_818 : vector<16xf32>
        %add3A_820 = arith.addf %add3A_774, %mul3A_819 : vector<16xf32>
        %get3A_821 = arith.index_cast %add3A_808 : i32 to index
        %get3A_822 = arith.constant 32 : index
        %get3A_823 = tpu.vector_load %arg16[%get3A_821, %get3A_822] {strides = array<i32>} : memref<128x128xf32, #tpu.memory_space<vmem>>, vector<16xf32>,
        %mul3A_824 = arith.mulf %gather3A_810, %get3A_823 : vector<16xf32>
        %add3A_825 = arith.addf %add3A_779, %mul3A_824 : vector<16xf32>
        %get3A_826 = arith.index_cast %add3A_808 : i32 to index
        %get3A_827 = arith.constant 48 : index
        %get3A_828 = tpu.vector_load %arg16[%get3A_826, %get3A_827] {strides = array<i32>} : memref<128x128xf32, #tpu.memory_space<vmem>>, vector<16xf32>,
        %mul3A_829 = arith.mulf %gather3A_810, %get3A_828 : vector<16xf32>
        %add3A_830 = arith.addf %add3A_784, %mul3A_829 : vector<16xf32>
        %get3A_831 = arith.index_cast %add3A_808 : i32 to index
        %get3A_832 = arith.constant 64 : index
        %get3A_833 = tpu.vector_load %arg16[%get3A_831, %get3A_832] {strides = array<i32>} : memref<128x128xf32, #tpu.memory_space<vmem>>, vector<16xf32>,
        %mul3A_834 = arith.mulf %gather3A_810, %get3A_833 : vector<16xf32>
        %add3A_835 = arith.addf %add3A_789, %mul3A_834 : vector<16xf32>
        %get3A_836 = arith.index_cast %add3A_808 : i32 to index
        %get3A_837 = arith.constant 80 : index
        %get3A_838 = tpu.vector_load %arg16[%get3A_836, %get3A_837] {strides = array<i32>} : memref<128x128xf32, #tpu.memory_space<vmem>>, vector<16xf32>,
        %mul3A_839 = arith.mulf %gather3A_810, %get3A_838 : vector<16xf32>
        %add3A_840 = arith.addf %add3A_794, %mul3A_839 : vector<16xf32>
        %get3A_841 = arith.index_cast %add3A_808 : i32 to index
        %get3A_842 = arith.constant 96 : index
        %get3A_843 = tpu.vector_load %arg16[%get3A_841, %get3A_842] {strides = array<i32>} : memref<128x128xf32, #tpu.memory_space<vmem>>, vector<16xf32>,
        %mul3A_844 = arith.mulf %gather3A_810, %get3A_843 : vector<16xf32>
        %add3A_845 = arith.addf %add3A_799, %mul3A_844 : vector<16xf32>
        %get3A_846 = arith.index_cast %add3A_808 : i32 to index
        %get3A_847 = arith.constant 112 : index
        %get3A_848 = tpu.vector_load %arg16[%get3A_846, %get3A_847] {strides = array<i32>} : memref<128x128xf32, #tpu.memory_space<vmem>>, vector<16xf32>,
        %mul3A_849 = arith.mulf %gather3A_810, %get3A_848 : vector<16xf32>
        %add3A_850 = arith.addf %add3A_804, %mul3A_849 : vector<16xf32>
        %mul3A_851 = arith.constant 4 : i32
        %mul3A_852 = arith.muli %scan3A_750, %mul3A_851 : i32
        %add3A_853 = arith.constant 2 : i32
        %add3A_854 = arith.addi %mul3A_852, %add3A_853 : i32
        %broadcast_in_dim3A_855 = vector.broadcast %add3A_854 : i32 to vector<16xi32>
        %gather3A_856 = tpu.vector_load_idx %arg21[%broadcast_in_dim3A_855] : memref<128xf32, #tpu.memory_space<vmem>>[vector<16xi32>], vector<16xf32>,
        %get3A_857 = arith.index_cast %add3A_854 : i32 to index
        %get3A_858 = arith.constant 0 : index
        %get3A_859 = tpu.vector_load %arg16[%get3A_857, %get3A_858] {strides = array<i32>} : memref<128x128xf32, #tpu.memory_space<vmem>>, vector<16xf32>,
        %mul3A_860 = arith.mulf %gather3A_856, %get3A_859 : vector<16xf32>
        %add3A_861 = arith.addf %add3A_815, %mul3A_860 : vector<16xf32>
        %get3A_862 = arith.index_cast %add3A_854 : i32 to index
        %get3A_863 = arith.constant 16 : index
        %get3A_864 = tpu.vector_load %arg16[%get3A_862, %get3A_863] {strides = array<i32>} : memref<128x128xf32, #tpu.memory_space<vmem>>, vector<16xf32>,
        %mul3A_865 = arith.mulf %gather3A_856, %get3A_864 : vector<16xf32>
        %add3A_866 = arith.addf %add3A_820, %mul3A_865 : vector<16xf32>
        %get3A_867 = arith.index_cast %add3A_854 : i32 to index
        %get3A_868 = arith.constant 32 : index
        %get3A_869 = tpu.vector_load %arg16[%get3A_867, %get3A_868] {strides = array<i32>} : memref<128x128xf32, #tpu.memory_space<vmem>>, vector<16xf32>,
        %mul3A_870 = arith.mulf %gather3A_856, %get3A_869 : vector<16xf32>
        %add3A_871 = arith.addf %add3A_825, %mul3A_870 : vector<16xf32>
        %get3A_872 = arith.index_cast %add3A_854 : i32 to index
        %get3A_873 = arith.constant 48 : index
        %get3A_874 = tpu.vector_load %arg16[%get3A_872, %get3A_873] {strides = array<i32>} : memref<128x128xf32, #tpu.memory_space<vmem>>, vector<16xf32>,
        %mul3A_875 = arith.mulf %gather3A_856, %get3A_874 : vector<16xf32>
        %add3A_876 = arith.addf %add3A_830, %mul3A_875 : vector<16xf32>
        %get3A_877 = arith.index_cast %add3A_854 : i32 to index
        %get3A_878 = arith.constant 64 : index
        %get3A_879 = tpu.vector_load %arg16[%get3A_877, %get3A_878] {strides = array<i32>} : memref<128x128xf32, #tpu.memory_space<vmem>>, vector<16xf32>,
        %mul3A_880 = arith.mulf %gather3A_856, %get3A_879 : vector<16xf32>
        %add3A_881 = arith.addf %add3A_835, %mul3A_880 : vector<16xf32>
        %get3A_882 = arith.index_cast %add3A_854 : i32 to index
        %get3A_883 = arith.constant 80 : index
        %get3A_884 = tpu.vector_load %arg16[%get3A_882, %get3A_883] {strides = array<i32>} : memref<128x128xf32, #tpu.memory_space<vmem>>, vector<16xf32>,
        %mul3A_885 = arith.mulf %gather3A_856, %get3A_884 : vector<16xf32>
        %add3A_886 = arith.addf %add3A_840, %mul3A_885 : vector<16xf32>
        %get3A_887 = arith.index_cast %add3A_854 : i32 to index
        %get3A_888 = arith.constant 96 : index
        %get3A_889 = tpu.vector_load %arg16[%get3A_887, %get3A_888] {strides = array<i32>} : memref<128x128xf32, #tpu.memory_space<vmem>>, vector<16xf32>,
        %mul3A_890 = arith.mulf %gather3A_856, %get3A_889 : vector<16xf32>
        %add3A_891 = arith.addf %add3A_845, %mul3A_890 : vector<16xf32>
        %get3A_892 = arith.index_cast %add3A_854 : i32 to index
        %get3A_893 = arith.constant 112 : index
        %get3A_894 = tpu.vector_load %arg16[%get3A_892, %get3A_893] {strides = array<i32>} : memref<128x128xf32, #tpu.memory_space<vmem>>, vector<16xf32>,
        %mul3A_895 = arith.mulf %gather3A_856, %get3A_894 : vector<16xf32>
        %add3A_896 = arith.addf %add3A_850, %mul3A_895 : vector<16xf32>
        %mul3A_897 = arith.constant 4 : i32
        %mul3A_898 = arith.muli %scan3A_750, %mul3A_897 : i32
        %add3A_899 = arith.constant 3 : i32
        %add3A_900 = arith.addi %mul3A_898, %add3A_899 : i32
        %broadcast_in_dim3A_901 = vector.broadcast %add3A_900 : i32 to vector<16xi32>
        %gather3A_902 = tpu.vector_load_idx %arg21[%broadcast_in_dim3A_901] : memref<128xf32, #tpu.memory_space<vmem>>[vector<16xi32>], vector<16xf32>,
        %get3A_903 = arith.index_cast %add3A_900 : i32 to index
        %get3A_904 = arith.constant 0 : index
        %get3A_905 = tpu.vector_load %arg16[%get3A_903, %get3A_904] {strides = array<i32>} : memref<128x128xf32, #tpu.memory_space<vmem>>, vector<16xf32>,
        %mul3A_906 = arith.mulf %gather3A_902, %get3A_905 : vector<16xf32>
        %add3A_907 = arith.addf %add3A_861, %mul3A_906 : vector<16xf32>
        %get3A_908 = arith.index_cast %add3A_900 : i32 to index
        %get3A_909 = arith.constant 16 : index
        %get3A_910 = tpu.vector_load %arg16[%get3A_908, %get3A_909] {strides = array<i32>} : memref<128x128xf32, #tpu.memory_space<vmem>>, vector<16xf32>,
        %mul3A_911 = arith.mulf %gather3A_902, %get3A_910 : vector<16xf32>
        %add3A_912 = arith.addf %add3A_866, %mul3A_911 : vector<16xf32>
        %get3A_913 = arith.index_cast %add3A_900 : i32 to index
        %get3A_914 = arith.constant 32 : index
        %get3A_915 = tpu.vector_load %arg16[%get3A_913, %get3A_914] {strides = array<i32>} : memref<128x128xf32, #tpu.memory_space<vmem>>, vector<16xf32>,
        %mul3A_916 = arith.mulf %gather3A_902, %get3A_915 : vector<16xf32>
        %add3A_917 = arith.addf %add3A_871, %mul3A_916 : vector<16xf32>
        %get3A_918 = arith.index_cast %add3A_900 : i32 to index
        %get3A_919 = arith.constant 48 : index
        %get3A_920 = tpu.vector_load %arg16[%get3A_918, %get3A_919] {strides = array<i32>} : memref<128x128xf32, #tpu.memory_space<vmem>>, vector<16xf32>,
        %mul3A_921 = arith.mulf %gather3A_902, %get3A_920 : vector<16xf32>
        %add3A_922 = arith.addf %add3A_876, %mul3A_921 : vector<16xf32>
        %get3A_923 = arith.index_cast %add3A_900 : i32 to index
        %get3A_924 = arith.constant 64 : index
        %get3A_925 = tpu.vector_load %arg16[%get3A_923, %get3A_924] {strides = array<i32>} : memref<128x128xf32, #tpu.memory_space<vmem>>, vector<16xf32>,
        %mul3A_926 = arith.mulf %gather3A_902, %get3A_925 : vector<16xf32>
        %add3A_927 = arith.addf %add3A_881, %mul3A_926 : vector<16xf32>
        %get3A_928 = arith.index_cast %add3A_900 : i32 to index
        %get3A_929 = arith.constant 80 : index
        %get3A_930 = tpu.vector_load %arg16[%get3A_928, %get3A_929] {strides = array<i32>} : memref<128x128xf32, #tpu.memory_space<vmem>>, vector<16xf32>,
        %mul3A_931 = arith.mulf %gather3A_902, %get3A_930 : vector<16xf32>
        %add3A_932 = arith.addf %add3A_886, %mul3A_931 : vector<16xf32>
        %get3A_933 = arith.index_cast %add3A_900 : i32 to index
        %get3A_934 = arith.constant 96 : index
        %get3A_935 = tpu.vector_load %arg16[%get3A_933, %get3A_934] {strides = array<i32>} : memref<128x128xf32, #tpu.memory_space<vmem>>, vector<16xf32>,
        %mul3A_936 = arith.mulf %gather3A_902, %get3A_935 : vector<16xf32>
        %add3A_937 = arith.addf %add3A_891, %mul3A_936 : vector<16xf32>
        %get3A_938 = arith.index_cast %add3A_900 : i32 to index
        %get3A_939 = arith.constant 112 : index
        %get3A_940 = tpu.vector_load %arg16[%get3A_938, %get3A_939] {strides = array<i32>} : memref<128x128xf32, #tpu.memory_space<vmem>>, vector<16xf32>,
        %mul3A_941 = arith.mulf %gather3A_902, %get3A_940 : vector<16xf32>
        %add3A_942 = arith.addf %add3A_896, %mul3A_941 : vector<16xf32>
        scf.yield %add3A_907, %add3A_912, %add3A_917, %add3A_922, %add3A_927, %add3A_932, %add3A_937, %add3A_942 : vector<16xf32>, vector<16xf32>, vector<16xf32>, vector<16xf32>, vector<16xf32>, vector<16xf32>, vector<16xf32>, vector<16xf32>
      }
      %scan3A_565 = arith.constant 32 : i32
      %dma_wait3A = arith.constant 0 : i32
      %dma_wait3A_566 = arith.constant 0 : i32
      %dma_wait3A_567 = tpu.memref_slice %arg3[%dma_wait3A, %dma_wait3A_566] : memref<100000x128xf32, #tpu.memory_space<hbm>> -> memref<100000x128xf32, #tpu.memory_space<hbm>>
      tpu.wait_indirect_dma semaphore(%arg28 : memref<!tpu.dma_semaphore, #tpu.memory_space<semaphore_mem>>) src(%dma_wait3A_567 : memref<100000x128xf32, #tpu.memory_space<hbm>>) dst(%arg20 : memref<1x128xf32, #tpu.memory_space<vmem>>)
      %get3A_568 = arith.constant 0 : i32
      %get3A_569 = arith.index_cast %get3A_568 : i32 to index
      %get3A_570 = arith.constant 0 : index
      %get3A_571 = tpu.vector_load %arg20[%get3A_569, %get3A_570] {strides = array<i32>} : memref<1x128xf32, #tpu.memory_space<vmem>>, vector<16xf32>,
      %add3A_572 = arith.addf %get3A_571, %scan3A_564#0 : vector<16xf32>
      %get3A_573 = arith.constant 0 : index
      %get3A_574 = tpu.vector_load %arg17[%get3A_573] {strides = array<i32>} : memref<128xf32, #tpu.memory_space<vmem>>, vector<16xf32>,
      %add3A_575 = arith.addf %add3A_572, %get3A_574 : vector<16xf32>
      %swap3A_576 = arith.constant 0 : index
      %swap3A_577 = tpu.vector_load %arg22[%swap3A_576] {strides = array<i32>} : memref<128xf32, #tpu.memory_space<vmem>>, vector<16xf32>,
      tpu.vector_store %arg22[%swap3A_576], %add3A_575 {strides = array<i32>} : memref<128xf32, #tpu.memory_space<vmem>>, vector<16xf32>,
      %get3A_578 = arith.constant 0 : i32
      %get3A_579 = arith.index_cast %get3A_578 : i32 to index
      %get3A_580 = arith.constant 16 : index
      %get3A_581 = tpu.vector_load %arg20[%get3A_579, %get3A_580] {strides = array<i32>} : memref<1x128xf32, #tpu.memory_space<vmem>>, vector<16xf32>,
      %add3A_582 = arith.addf %get3A_581, %scan3A_564#1 : vector<16xf32>
      %get3A_583 = arith.constant 16 : index
      %get3A_584 = tpu.vector_load %arg17[%get3A_583] {strides = array<i32>} : memref<128xf32, #tpu.memory_space<vmem>>, vector<16xf32>,
      %add3A_585 = arith.addf %add3A_582, %get3A_584 : vector<16xf32>
      %swap3A_586 = arith.constant 16 : index
      %swap3A_587 = tpu.vector_load %arg22[%swap3A_586] {strides = array<i32>} : memref<128xf32, #tpu.memory_space<vmem>>, vector<16xf32>,
      tpu.vector_store %arg22[%swap3A_586], %add3A_585 {strides = array<i32>} : memref<128xf32, #tpu.memory_space<vmem>>, vector<16xf32>,
      %get3A_588 = arith.constant 0 : i32
      %get3A_589 = arith.index_cast %get3A_588 : i32 to index
      %get3A_590 = arith.constant 32 : index
      %get3A_591 = tpu.vector_load %arg20[%get3A_589, %get3A_590] {strides = array<i32>} : memref<1x128xf32, #tpu.memory_space<vmem>>, vector<16xf32>,
      %add3A_592 = arith.addf %get3A_591, %scan3A_564#2 : vector<16xf32>
      %get3A_593 = arith.constant 32 : index
      %get3A_594 = tpu.vector_load %arg17[%get3A_593] {strides = array<i32>} : memref<128xf32, #tpu.memory_space<vmem>>, vector<16xf32>,
      %add3A_595 = arith.addf %add3A_592, %get3A_594 : vector<16xf32>
      %swap3A_596 = arith.constant 32 : index
      %swap3A_597 = tpu.vector_load %arg22[%swap3A_596] {strides = array<i32>} : memref<128xf32, #tpu.memory_space<vmem>>, vector<16xf32>,
      tpu.vector_store %arg22[%swap3A_596], %add3A_595 {strides = array<i32>} : memref<128xf32, #tpu.memory_space<vmem>>, vector<16xf32>,
      %get3A_598 = arith.constant 0 : i32
      %get3A_599 = arith.index_cast %get3A_598 : i32 to index
      %get3A_600 = arith.constant 48 : index
      %get3A_601 = tpu.vector_load %arg20[%get3A_599, %get3A_600] {strides = array<i32>} : memref<1x128xf32, #tpu.memory_space<vmem>>, vector<16xf32>,
      %add3A_602 = arith.addf %get3A_601, %scan3A_564#3 : vector<16xf32>
      %get3A_603 = arith.constant 48 : index
      %get3A_604 = tpu.vector_load %arg17[%get3A_603] {strides = array<i32>} : memref<128xf32, #tpu.memory_space<vmem>>, vector<16xf32>,
      %add3A_605 = arith.addf %add3A_602, %get3A_604 : vector<16xf32>
      %swap3A_606 = arith.constant 48 : index
      %swap3A_607 = tpu.vector_load %arg22[%swap3A_606] {strides = array<i32>} : memref<128xf32, #tpu.memory_space<vmem>>, vector<16xf32>,
      tpu.vector_store %arg22[%swap3A_606], %add3A_605 {strides = array<i32>} : memref<128xf32, #tpu.memory_space<vmem>>, vector<16xf32>,
      %get3A_608 = arith.constant 0 : i32
      %get3A_609 = arith.index_cast %get3A_608 : i32 to index
      %get3A_610 = arith.constant 64 : index
      %get3A_611 = tpu.vector_load %arg20[%get3A_609, %get3A_610] {strides = array<i32>} : memref<1x128xf32, #tpu.memory_space<vmem>>, vector<16xf32>,
      %add3A_612 = arith.addf %get3A_611, %scan3A_564#4 : vector<16xf32>
      %get3A_613 = arith.constant 64 : index
      %get3A_614 = tpu.vector_load %arg17[%get3A_613] {strides = array<i32>} : memref<128xf32, #tpu.memory_space<vmem>>, vector<16xf32>,
      %add3A_615 = arith.addf %add3A_612, %get3A_614 : vector<16xf32>
      %swap3A_616 = arith.constant 64 : index
      %swap3A_617 = tpu.vector_load %arg22[%swap3A_616] {strides = array<i32>} : memref<128xf32, #tpu.memory_space<vmem>>, vector<16xf32>,
      tpu.vector_store %arg22[%swap3A_616], %add3A_615 {strides = array<i32>} : memref<128xf32, #tpu.memory_space<vmem>>, vector<16xf32>,
      %get3A_618 = arith.constant 0 : i32
      %get3A_619 = arith.index_cast %get3A_618 : i32 to index
      %get3A_620 = arith.constant 80 : index
      %get3A_621 = tpu.vector_load %arg20[%get3A_619, %get3A_620] {strides = array<i32>} : memref<1x128xf32, #tpu.memory_space<vmem>>, vector<16xf32>,
      %add3A_622 = arith.addf %get3A_621, %scan3A_564#5 : vector<16xf32>
      %get3A_623 = arith.constant 80 : index
      %get3A_624 = tpu.vector_load %arg17[%get3A_623] {strides = array<i32>} : memref<128xf32, #tpu.memory_space<vmem>>, vector<16xf32>,
      %add3A_625 = arith.addf %add3A_622, %get3A_624 : vector<16xf32>
      %swap3A_626 = arith.constant 80 : index
      %swap3A_627 = tpu.vector_load %arg22[%swap3A_626] {strides = array<i32>} : memref<128xf32, #tpu.memory_space<vmem>>, vector<16xf32>,
      tpu.vector_store %arg22[%swap3A_626], %add3A_625 {strides = array<i32>} : memref<128xf32, #tpu.memory_space<vmem>>, vector<16xf32>,
      %get3A_628 = arith.constant 0 : i32
      %get3A_629 = arith.index_cast %get3A_628 : i32 to index
      %get3A_630 = arith.constant 96 : index
      %get3A_631 = tpu.vector_load %arg20[%get3A_629, %get3A_630] {strides = array<i32>} : memref<1x128xf32, #tpu.memory_space<vmem>>, vector<16xf32>,
      %add3A_632 = arith.addf %get3A_631, %scan3A_564#6 : vector<16xf32>
      %get3A_633 = arith.constant 96 : index
      %get3A_634 = tpu.vector_load %arg17[%get3A_633] {strides = array<i32>} : memref<128xf32, #tpu.memory_space<vmem>>, vector<16xf32>,
      %add3A_635 = arith.addf %add3A_632, %get3A_634 : vector<16xf32>
      %swap3A_636 = arith.constant 96 : index
      %swap3A_637 = tpu.vector_load %arg22[%swap3A_636] {strides = array<i32>} : memref<128xf32, #tpu.memory_space<vmem>>, vector<16xf32>,
      tpu.vector_store %arg22[%swap3A_636], %add3A_635 {strides = array<i32>} : memref<128xf32, #tpu.memory_space<vmem>>, vector<16xf32>,
      %get3A_638 = arith.constant 0 : i32
      %get3A_639 = arith.index_cast %get3A_638 : i32 to index
      %get3A_640 = arith.constant 112 : index
      %get3A_641 = tpu.vector_load %arg20[%get3A_639, %get3A_640] {strides = array<i32>} : memref<1x128xf32, #tpu.memory_space<vmem>>, vector<16xf32>,
      %add3A_642 = arith.addf %get3A_641, %scan3A_564#7 : vector<16xf32>
      %get3A_643 = arith.constant 112 : index
      %get3A_644 = tpu.vector_load %arg17[%get3A_643] {strides = array<i32>} : memref<128xf32, #tpu.memory_space<vmem>>, vector<16xf32>,
      %add3A_645 = arith.addf %add3A_642, %get3A_644 : vector<16xf32>
      %swap3A_646 = arith.constant 112 : index
      %swap3A_647 = tpu.vector_load %arg22[%swap3A_646] {strides = array<i32>} : memref<128xf32, #tpu.memory_space<vmem>>, vector<16xf32>,
      tpu.vector_store %arg22[%swap3A_646], %add3A_645 {strides = array<i32>} : memref<128xf32, #tpu.memory_space<vmem>>, vector<16xf32>,
      tpu.wait_dma2 semaphore(%arg27 : memref<!tpu.dma_semaphore, #tpu.memory_space<semaphore_mem>>) src(%arg9 : memref<128x128xf32, #tpu.memory_space<hbm>>) dst(%arg18 : memref<128x128xf32, #tpu.memory_space<vmem>>)
      %broadcast_in_dim3A_648 = arith.constant 0.000000e+00 : f32
      %broadcast_in_dim3A_649 = vector.broadcast %broadcast_in_dim3A_648 : f32 to vector<16xf32>
      %broadcast_in_dim3A_650 = arith.constant 0.000000e+00 : f32
      %broadcast_in_dim3A_651 = vector.broadcast %broadcast_in_dim3A_650 : f32 to vector<16xf32>
      %broadcast_in_dim3A_652 = arith.constant 0.000000e+00 : f32
      %broadcast_in_dim3A_653 = vector.broadcast %broadcast_in_dim3A_652 : f32 to vector<16xf32>
      %broadcast_in_dim3A_654 = arith.constant 0.000000e+00 : f32
      %broadcast_in_dim3A_655 = vector.broadcast %broadcast_in_dim3A_654 : f32 to vector<16xf32>
      %broadcast_in_dim3A_656 = arith.constant 0.000000e+00 : f32
      %broadcast_in_dim3A_657 = vector.broadcast %broadcast_in_dim3A_656 : f32 to vector<16xf32>
      %broadcast_in_dim3A_658 = arith.constant 0.000000e+00 : f32
      %broadcast_in_dim3A_659 = vector.broadcast %broadcast_in_dim3A_658 : f32 to vector<16xf32>
      %broadcast_in_dim3A_660 = arith.constant 0.000000e+00 : f32
      %broadcast_in_dim3A_661 = vector.broadcast %broadcast_in_dim3A_660 : f32 to vector<16xf32>
      %broadcast_in_dim3A_662 = arith.constant 0.000000e+00 : f32
      %broadcast_in_dim3A_663 = vector.broadcast %broadcast_in_dim3A_662 : f32 to vector<16xf32>
      %scan3A_664 = arith.constant 0 : i32
      %scan3A_665 = arith.constant 32 : i32
      %scan3A_666 = arith.addi %scan3A_664, %scan3A_665 : i32
      %scan3A_667 = arith.constant 1 : i32
      %scan3A_668:8 = scf.for %scan3A_750 = %scan3A_664 to %scan3A_666 step %scan3A_667 iter_args(%scan3A_751 = %broadcast_in_dim3A_649, %scan3A_752 = %broadcast_in_dim3A_651, %scan3A_753 = %broadcast_in_dim3A_653, %scan3A_754 = %broadcast_in_dim3A_655, %scan3A_755 = %broadcast_in_dim3A_657, %scan3A_756 = %broadcast_in_dim3A_659, %scan3A_757 = %broadcast_in_dim3A_661, %scan3A_758 = %broadcast_in_dim3A_663) -> (vector<16xf32>, vector<16xf32>, vector<16xf32>, vector<16xf32>, vector<16xf32>, vector<16xf32>, vector<16xf32>, vector<16xf32>)  : i32 {
        %mul3A_759 = arith.constant 4 : i32
        %mul3A_760 = arith.muli %scan3A_750, %mul3A_759 : i32
        %add3A_761 = arith.constant 0 : i32
        %add3A_762 = arith.addi %mul3A_760, %add3A_761 : i32
        %broadcast_in_dim3A_763 = vector.broadcast %add3A_762 : i32 to vector<16xi32>
        %gather3A_764 = tpu.vector_load_idx %arg22[%broadcast_in_dim3A_763] : memref<128xf32, #tpu.memory_space<vmem>>[vector<16xi32>], vector<16xf32>,
        %get3A_765 = arith.index_cast %add3A_762 : i32 to index
        %get3A_766 = arith.constant 0 : index
        %get3A_767 = tpu.vector_load %arg18[%get3A_765, %get3A_766] {strides = array<i32>} : memref<128x128xf32, #tpu.memory_space<vmem>>, vector<16xf32>,
        %mul3A_768 = arith.mulf %gather3A_764, %get3A_767 : vector<16xf32>
        %add3A_769 = arith.addf %scan3A_751, %mul3A_768 : vector<16xf32>
        %get3A_770 = arith.index_cast %add3A_762 : i32 to index
        %get3A_771 = arith.constant 16 : index
        %get3A_772 = tpu.vector_load %arg18[%get3A_770, %get3A_771] {strides = array<i32>} : memref<128x128xf32, #tpu.memory_space<vmem>>, vector<16xf32>,
        %mul3A_773 = arith.mulf %gather3A_764, %get3A_772 : vector<16xf32>
        %add3A_774 = arith.addf %scan3A_752, %mul3A_773 : vector<16xf32>
        %get3A_775 = arith.index_cast %add3A_762 : i32 to index
        %get3A_776 = arith.constant 32 : index
        %get3A_777 = tpu.vector_load %arg18[%get3A_775, %get3A_776] {strides = array<i32>} : memref<128x128xf32, #tpu.memory_space<vmem>>, vector<16xf32>,
        %mul3A_778 = arith.mulf %gather3A_764, %get3A_777 : vector<16xf32>
        %add3A_779 = arith.addf %scan3A_753, %mul3A_778 : vector<16xf32>
        %get3A_780 = arith.index_cast %add3A_762 : i32 to index
        %get3A_781 = arith.constant 48 : index
        %get3A_782 = tpu.vector_load %arg18[%get3A_780, %get3A_781] {strides = array<i32>} : memref<128x128xf32, #tpu.memory_space<vmem>>, vector<16xf32>,
        %mul3A_783 = arith.mulf %gather3A_764, %get3A_782 : vector<16xf32>
        %add3A_784 = arith.addf %scan3A_754, %mul3A_783 : vector<16xf32>
        %get3A_785 = arith.index_cast %add3A_762 : i32 to index
        %get3A_786 = arith.constant 64 : index
        %get3A_787 = tpu.vector_load %arg18[%get3A_785, %get3A_786] {strides = array<i32>} : memref<128x128xf32, #tpu.memory_space<vmem>>, vector<16xf32>,
        %mul3A_788 = arith.mulf %gather3A_764, %get3A_787 : vector<16xf32>
        %add3A_789 = arith.addf %scan3A_755, %mul3A_788 : vector<16xf32>
        %get3A_790 = arith.index_cast %add3A_762 : i32 to index
        %get3A_791 = arith.constant 80 : index
        %get3A_792 = tpu.vector_load %arg18[%get3A_790, %get3A_791] {strides = array<i32>} : memref<128x128xf32, #tpu.memory_space<vmem>>, vector<16xf32>,
        %mul3A_793 = arith.mulf %gather3A_764, %get3A_792 : vector<16xf32>
        %add3A_794 = arith.addf %scan3A_756, %mul3A_793 : vector<16xf32>
        %get3A_795 = arith.index_cast %add3A_762 : i32 to index
        %get3A_796 = arith.constant 96 : index
        %get3A_797 = tpu.vector_load %arg18[%get3A_795, %get3A_796] {strides = array<i32>} : memref<128x128xf32, #tpu.memory_space<vmem>>, vector<16xf32>,
        %mul3A_798 = arith.mulf %gather3A_764, %get3A_797 : vector<16xf32>
        %add3A_799 = arith.addf %scan3A_757, %mul3A_798 : vector<16xf32>
        %get3A_800 = arith.index_cast %add3A_762 : i32 to index
        %get3A_801 = arith.constant 112 : index
        %get3A_802 = tpu.vector_load %arg18[%get3A_800, %get3A_801] {strides = array<i32>} : memref<128x128xf32, #tpu.memory_space<vmem>>, vector<16xf32>,
        %mul3A_803 = arith.mulf %gather3A_764, %get3A_802 : vector<16xf32>
        %add3A_804 = arith.addf %scan3A_758, %mul3A_803 : vector<16xf32>
        %mul3A_805 = arith.constant 4 : i32
        %mul3A_806 = arith.muli %scan3A_750, %mul3A_805 : i32
        %add3A_807 = arith.constant 1 : i32
        %add3A_808 = arith.addi %mul3A_806, %add3A_807 : i32
        %broadcast_in_dim3A_809 = vector.broadcast %add3A_808 : i32 to vector<16xi32>
        %gather3A_810 = tpu.vector_load_idx %arg22[%broadcast_in_dim3A_809] : memref<128xf32, #tpu.memory_space<vmem>>[vector<16xi32>], vector<16xf32>,
        %get3A_811 = arith.index_cast %add3A_808 : i32 to index
        %get3A_812 = arith.constant 0 : index
        %get3A_813 = tpu.vector_load %arg18[%get3A_811, %get3A_812] {strides = array<i32>} : memref<128x128xf32, #tpu.memory_space<vmem>>, vector<16xf32>,
        %mul3A_814 = arith.mulf %gather3A_810, %get3A_813 : vector<16xf32>
        %add3A_815 = arith.addf %add3A_769, %mul3A_814 : vector<16xf32>
        %get3A_816 = arith.index_cast %add3A_808 : i32 to index
        %get3A_817 = arith.constant 16 : index
        %get3A_818 = tpu.vector_load %arg18[%get3A_816, %get3A_817] {strides = array<i32>} : memref<128x128xf32, #tpu.memory_space<vmem>>, vector<16xf32>,
        %mul3A_819 = arith.mulf %gather3A_810, %get3A_818 : vector<16xf32>
        %add3A_820 = arith.addf %add3A_774, %mul3A_819 : vector<16xf32>
        %get3A_821 = arith.index_cast %add3A_808 : i32 to index
        %get3A_822 = arith.constant 32 : index
        %get3A_823 = tpu.vector_load %arg18[%get3A_821, %get3A_822] {strides = array<i32>} : memref<128x128xf32, #tpu.memory_space<vmem>>, vector<16xf32>,
        %mul3A_824 = arith.mulf %gather3A_810, %get3A_823 : vector<16xf32>
        %add3A_825 = arith.addf %add3A_779, %mul3A_824 : vector<16xf32>
        %get3A_826 = arith.index_cast %add3A_808 : i32 to index
        %get3A_827 = arith.constant 48 : index
        %get3A_828 = tpu.vector_load %arg18[%get3A_826, %get3A_827] {strides = array<i32>} : memref<128x128xf32, #tpu.memory_space<vmem>>, vector<16xf32>,
        %mul3A_829 = arith.mulf %gather3A_810, %get3A_828 : vector<16xf32>
        %add3A_830 = arith.addf %add3A_784, %mul3A_829 : vector<16xf32>
        %get3A_831 = arith.index_cast %add3A_808 : i32 to index
        %get3A_832 = arith.constant 64 : index
        %get3A_833 = tpu.vector_load %arg18[%get3A_831, %get3A_832] {strides = array<i32>} : memref<128x128xf32, #tpu.memory_space<vmem>>, vector<16xf32>,
        %mul3A_834 = arith.mulf %gather3A_810, %get3A_833 : vector<16xf32>
        %add3A_835 = arith.addf %add3A_789, %mul3A_834 : vector<16xf32>
        %get3A_836 = arith.index_cast %add3A_808 : i32 to index
        %get3A_837 = arith.constant 80 : index
        %get3A_838 = tpu.vector_load %arg18[%get3A_836, %get3A_837] {strides = array<i32>} : memref<128x128xf32, #tpu.memory_space<vmem>>, vector<16xf32>,
        %mul3A_839 = arith.mulf %gather3A_810, %get3A_838 : vector<16xf32>
        %add3A_840 = arith.addf %add3A_794, %mul3A_839 : vector<16xf32>
        %get3A_841 = arith.index_cast %add3A_808 : i32 to index
        %get3A_842 = arith.constant 96 : index
        %get3A_843 = tpu.vector_load %arg18[%get3A_841, %get3A_842] {strides = array<i32>} : memref<128x128xf32, #tpu.memory_space<vmem>>, vector<16xf32>,
        %mul3A_844 = arith.mulf %gather3A_810, %get3A_843 : vector<16xf32>
        %add3A_845 = arith.addf %add3A_799, %mul3A_844 : vector<16xf32>
        %get3A_846 = arith.index_cast %add3A_808 : i32 to index
        %get3A_847 = arith.constant 112 : index
        %get3A_848 = tpu.vector_load %arg18[%get3A_846, %get3A_847] {strides = array<i32>} : memref<128x128xf32, #tpu.memory_space<vmem>>, vector<16xf32>,
        %mul3A_849 = arith.mulf %gather3A_810, %get3A_848 : vector<16xf32>
        %add3A_850 = arith.addf %add3A_804, %mul3A_849 : vector<16xf32>
        %mul3A_851 = arith.constant 4 : i32
        %mul3A_852 = arith.muli %scan3A_750, %mul3A_851 : i32
        %add3A_853 = arith.constant 2 : i32
        %add3A_854 = arith.addi %mul3A_852, %add3A_853 : i32
        %broadcast_in_dim3A_855 = vector.broadcast %add3A_854 : i32 to vector<16xi32>
        %gather3A_856 = tpu.vector_load_idx %arg22[%broadcast_in_dim3A_855] : memref<128xf32, #tpu.memory_space<vmem>>[vector<16xi32>], vector<16xf32>,
        %get3A_857 = arith.index_cast %add3A_854 : i32 to index
        %get3A_858 = arith.constant 0 : index
        %get3A_859 = tpu.vector_load %arg18[%get3A_857, %get3A_858] {strides = array<i32>} : memref<128x128xf32, #tpu.memory_space<vmem>>, vector<16xf32>,
        %mul3A_860 = arith.mulf %gather3A_856, %get3A_859 : vector<16xf32>
        %add3A_861 = arith.addf %add3A_815, %mul3A_860 : vector<16xf32>
        %get3A_862 = arith.index_cast %add3A_854 : i32 to index
        %get3A_863 = arith.constant 16 : index
        %get3A_864 = tpu.vector_load %arg18[%get3A_862, %get3A_863] {strides = array<i32>} : memref<128x128xf32, #tpu.memory_space<vmem>>, vector<16xf32>,
        %mul3A_865 = arith.mulf %gather3A_856, %get3A_864 : vector<16xf32>
        %add3A_866 = arith.addf %add3A_820, %mul3A_865 : vector<16xf32>
        %get3A_867 = arith.index_cast %add3A_854 : i32 to index
        %get3A_868 = arith.constant 32 : index
        %get3A_869 = tpu.vector_load %arg18[%get3A_867, %get3A_868] {strides = array<i32>} : memref<128x128xf32, #tpu.memory_space<vmem>>, vector<16xf32>,
        %mul3A_870 = arith.mulf %gather3A_856, %get3A_869 : vector<16xf32>
        %add3A_871 = arith.addf %add3A_825, %mul3A_870 : vector<16xf32>
        %get3A_872 = arith.index_cast %add3A_854 : i32 to index
        %get3A_873 = arith.constant 48 : index
        %get3A_874 = tpu.vector_load %arg18[%get3A_872, %get3A_873] {strides = array<i32>} : memref<128x128xf32, #tpu.memory_space<vmem>>, vector<16xf32>,
        %mul3A_875 = arith.mulf %gather3A_856, %get3A_874 : vector<16xf32>
        %add3A_876 = arith.addf %add3A_830, %mul3A_875 : vector<16xf32>
        %get3A_877 = arith.index_cast %add3A_854 : i32 to index
        %get3A_878 = arith.constant 64 : index
        %get3A_879 = tpu.vector_load %arg18[%get3A_877, %get3A_878] {strides = array<i32>} : memref<128x128xf32, #tpu.memory_space<vmem>>, vector<16xf32>,
        %mul3A_880 = arith.mulf %gather3A_856, %get3A_879 : vector<16xf32>
        %add3A_881 = arith.addf %add3A_835, %mul3A_880 : vector<16xf32>
        %get3A_882 = arith.index_cast %add3A_854 : i32 to index
        %get3A_883 = arith.constant 80 : index
        %get3A_884 = tpu.vector_load %arg18[%get3A_882, %get3A_883] {strides = array<i32>} : memref<128x128xf32, #tpu.memory_space<vmem>>, vector<16xf32>,
        %mul3A_885 = arith.mulf %gather3A_856, %get3A_884 : vector<16xf32>
        %add3A_886 = arith.addf %add3A_840, %mul3A_885 : vector<16xf32>
        %get3A_887 = arith.index_cast %add3A_854 : i32 to index
        %get3A_888 = arith.constant 96 : index
        %get3A_889 = tpu.vector_load %arg18[%get3A_887, %get3A_888] {strides = array<i32>} : memref<128x128xf32, #tpu.memory_space<vmem>>, vector<16xf32>,
        %mul3A_890 = arith.mulf %gather3A_856, %get3A_889 : vector<16xf32>
        %add3A_891 = arith.addf %add3A_845, %mul3A_890 : vector<16xf32>
        %get3A_892 = arith.index_cast %add3A_854 : i32 to index
        %get3A_893 = arith.constant 112 : index
        %get3A_894 = tpu.vector_load %arg18[%get3A_892, %get3A_893] {strides = array<i32>} : memref<128x128xf32, #tpu.memory_space<vmem>>, vector<16xf32>,
        %mul3A_895 = arith.mulf %gather3A_856, %get3A_894 : vector<16xf32>
        %add3A_896 = arith.addf %add3A_850, %mul3A_895 : vector<16xf32>
        %mul3A_897 = arith.constant 4 : i32
        %mul3A_898 = arith.muli %scan3A_750, %mul3A_897 : i32
        %add3A_899 = arith.constant 3 : i32
        %add3A_900 = arith.addi %mul3A_898, %add3A_899 : i32
        %broadcast_in_dim3A_901 = vector.broadcast %add3A_900 : i32 to vector<16xi32>
        %gather3A_902 = tpu.vector_load_idx %arg22[%broadcast_in_dim3A_901] : memref<128xf32, #tpu.memory_space<vmem>>[vector<16xi32>], vector<16xf32>,
        %get3A_903 = arith.index_cast %add3A_900 : i32 to index
        %get3A_904 = arith.constant 0 : index
        %get3A_905 = tpu.vector_load %arg18[%get3A_903, %get3A_904] {strides = array<i32>} : memref<128x128xf32, #tpu.memory_space<vmem>>, vector<16xf32>,
        %mul3A_906 = arith.mulf %gather3A_902, %get3A_905 : vector<16xf32>
        %add3A_907 = arith.addf %add3A_861, %mul3A_906 : vector<16xf32>
        %get3A_908 = arith.index_cast %add3A_900 : i32 to index
        %get3A_909 = arith.constant 16 : index
        %get3A_910 = tpu.vector_load %arg18[%get3A_908, %get3A_909] {strides = array<i32>} : memref<128x128xf32, #tpu.memory_space<vmem>>, vector<16xf32>,
        %mul3A_911 = arith.mulf %gather3A_902, %get3A_910 : vector<16xf32>
        %add3A_912 = arith.addf %add3A_866, %mul3A_911 : vector<16xf32>
        %get3A_913 = arith.index_cast %add3A_900 : i32 to index
        %get3A_914 = arith.constant 32 : index
        %get3A_915 = tpu.vector_load %arg18[%get3A_913, %get3A_914] {strides = array<i32>} : memref<128x128xf32, #tpu.memory_space<vmem>>, vector<16xf32>,
        %mul3A_916 = arith.mulf %gather3A_902, %get3A_915 : vector<16xf32>
        %add3A_917 = arith.addf %add3A_871, %mul3A_916 : vector<16xf32>
        %get3A_918 = arith.index_cast %add3A_900 : i32 to index
        %get3A_919 = arith.constant 48 : index
        %get3A_920 = tpu.vector_load %arg18[%get3A_918, %get3A_919] {strides = array<i32>} : memref<128x128xf32, #tpu.memory_space<vmem>>, vector<16xf32>,
        %mul3A_921 = arith.mulf %gather3A_902, %get3A_920 : vector<16xf32>
        %add3A_922 = arith.addf %add3A_876, %mul3A_921 : vector<16xf32>
        %get3A_923 = arith.index_cast %add3A_900 : i32 to index
        %get3A_924 = arith.constant 64 : index
        %get3A_925 = tpu.vector_load %arg18[%get3A_923, %get3A_924] {strides = array<i32>} : memref<128x128xf32, #tpu.memory_space<vmem>>, vector<16xf32>,
        %mul3A_926 = arith.mulf %gather3A_902, %get3A_925 : vector<16xf32>
        %add3A_927 = arith.addf %add3A_881, %mul3A_926 : vector<16xf32>
        %get3A_928 = arith.index_cast %add3A_900 : i32 to index
        %get3A_929 = arith.constant 80 : index
        %get3A_930 = tpu.vector_load %arg18[%get3A_928, %get3A_929] {strides = array<i32>} : memref<128x128xf32, #tpu.memory_space<vmem>>, vector<16xf32>,
        %mul3A_931 = arith.mulf %gather3A_902, %get3A_930 : vector<16xf32>
        %add3A_932 = arith.addf %add3A_886, %mul3A_931 : vector<16xf32>
        %get3A_933 = arith.index_cast %add3A_900 : i32 to index
        %get3A_934 = arith.constant 96 : index
        %get3A_935 = tpu.vector_load %arg18[%get3A_933, %get3A_934] {strides = array<i32>} : memref<128x128xf32, #tpu.memory_space<vmem>>, vector<16xf32>,
        %mul3A_936 = arith.mulf %gather3A_902, %get3A_935 : vector<16xf32>
        %add3A_937 = arith.addf %add3A_891, %mul3A_936 : vector<16xf32>
        %get3A_938 = arith.index_cast %add3A_900 : i32 to index
        %get3A_939 = arith.constant 112 : index
        %get3A_940 = tpu.vector_load %arg18[%get3A_938, %get3A_939] {strides = array<i32>} : memref<128x128xf32, #tpu.memory_space<vmem>>, vector<16xf32>,
        %mul3A_941 = arith.mulf %gather3A_902, %get3A_940 : vector<16xf32>
        %add3A_942 = arith.addf %add3A_896, %mul3A_941 : vector<16xf32>
        scf.yield %add3A_907, %add3A_912, %add3A_917, %add3A_922, %add3A_927, %add3A_932, %add3A_937, %add3A_942 : vector<16xf32>, vector<16xf32>, vector<16xf32>, vector<16xf32>, vector<16xf32>, vector<16xf32>, vector<16xf32>, vector<16xf32>
      }
      %scan3A_669 = arith.constant 32 : i32
      %get3A_670 = arith.constant 0 : index
      %get3A_671 = tpu.vector_load %arg19[%get3A_670] {strides = array<i32>} : memref<128xf32, #tpu.memory_space<vmem>>, vector<16xf32>,
      %add3A_672 = arith.addf %scan3A_668#0, %get3A_671 : vector<16xf32>
      %max3A_673 = arith.constant 0.000000e+00 : f32
      %max3A_674 = vector.broadcast %max3A_673 : f32 to vector<16xf32>
      %max3A_675 = arith.maximumf %add3A_672, %max3A_674 : vector<16xf32>
      %swap3A_676 = arith.constant 0 : i32
      %swap3A_677 = arith.index_cast %swap3A_676 : i32 to index
      %swap3A_678 = arith.constant 0 : index
      %swap3A_679 = tpu.vector_load %arg23[%swap3A_677, %swap3A_678] {strides = array<i32>} : memref<1x128xf32, #tpu.memory_space<vmem>>, vector<16xf32>,
      tpu.vector_store %arg23[%swap3A_677, %swap3A_678], %max3A_675 {strides = array<i32>} : memref<1x128xf32, #tpu.memory_space<vmem>>, vector<16xf32>,
      %get3A_680 = arith.constant 16 : index
      %get3A_681 = tpu.vector_load %arg19[%get3A_680] {strides = array<i32>} : memref<128xf32, #tpu.memory_space<vmem>>, vector<16xf32>,
      %add3A_682 = arith.addf %scan3A_668#1, %get3A_681 : vector<16xf32>
      %max3A_683 = arith.constant 0.000000e+00 : f32
      %max3A_684 = vector.broadcast %max3A_683 : f32 to vector<16xf32>
      %max3A_685 = arith.maximumf %add3A_682, %max3A_684 : vector<16xf32>
      %swap3A_686 = arith.constant 0 : i32
      %swap3A_687 = arith.index_cast %swap3A_686 : i32 to index
      %swap3A_688 = arith.constant 16 : index
      %swap3A_689 = tpu.vector_load %arg23[%swap3A_687, %swap3A_688] {strides = array<i32>} : memref<1x128xf32, #tpu.memory_space<vmem>>, vector<16xf32>,
      tpu.vector_store %arg23[%swap3A_687, %swap3A_688], %max3A_685 {strides = array<i32>} : memref<1x128xf32, #tpu.memory_space<vmem>>, vector<16xf32>,
      %get3A_690 = arith.constant 32 : index
      %get3A_691 = tpu.vector_load %arg19[%get3A_690] {strides = array<i32>} : memref<128xf32, #tpu.memory_space<vmem>>, vector<16xf32>,
      %add3A_692 = arith.addf %scan3A_668#2, %get3A_691 : vector<16xf32>
      %max3A_693 = arith.constant 0.000000e+00 : f32
      %max3A_694 = vector.broadcast %max3A_693 : f32 to vector<16xf32>
      %max3A_695 = arith.maximumf %add3A_692, %max3A_694 : vector<16xf32>
      %swap3A_696 = arith.constant 0 : i32
      %swap3A_697 = arith.index_cast %swap3A_696 : i32 to index
      %swap3A_698 = arith.constant 32 : index
      %swap3A_699 = tpu.vector_load %arg23[%swap3A_697, %swap3A_698] {strides = array<i32>} : memref<1x128xf32, #tpu.memory_space<vmem>>, vector<16xf32>,
      tpu.vector_store %arg23[%swap3A_697, %swap3A_698], %max3A_695 {strides = array<i32>} : memref<1x128xf32, #tpu.memory_space<vmem>>, vector<16xf32>,
      %get3A_700 = arith.constant 48 : index
      %get3A_701 = tpu.vector_load %arg19[%get3A_700] {strides = array<i32>} : memref<128xf32, #tpu.memory_space<vmem>>, vector<16xf32>,
      %add3A_702 = arith.addf %scan3A_668#3, %get3A_701 : vector<16xf32>
      %max3A_703 = arith.constant 0.000000e+00 : f32
      %max3A_704 = vector.broadcast %max3A_703 : f32 to vector<16xf32>
      %max3A_705 = arith.maximumf %add3A_702, %max3A_704 : vector<16xf32>
      %swap3A_706 = arith.constant 0 : i32
      %swap3A_707 = arith.index_cast %swap3A_706 : i32 to index
      %swap3A_708 = arith.constant 48 : index
      %swap3A_709 = tpu.vector_load %arg23[%swap3A_707, %swap3A_708] {strides = array<i32>} : memref<1x128xf32, #tpu.memory_space<vmem>>, vector<16xf32>,
      tpu.vector_store %arg23[%swap3A_707, %swap3A_708], %max3A_705 {strides = array<i32>} : memref<1x128xf32, #tpu.memory_space<vmem>>, vector<16xf32>,
      %get3A_710 = arith.constant 64 : index
      %get3A_711 = tpu.vector_load %arg19[%get3A_710] {strides = array<i32>} : memref<128xf32, #tpu.memory_space<vmem>>, vector<16xf32>,
      %add3A_712 = arith.addf %scan3A_668#4, %get3A_711 : vector<16xf32>
      %max3A_713 = arith.constant 0.000000e+00 : f32
      %max3A_714 = vector.broadcast %max3A_713 : f32 to vector<16xf32>
      %max3A_715 = arith.maximumf %add3A_712, %max3A_714 : vector<16xf32>
      %swap3A_716 = arith.constant 0 : i32
      %swap3A_717 = arith.index_cast %swap3A_716 : i32 to index
      %swap3A_718 = arith.constant 64 : index
      %swap3A_719 = tpu.vector_load %arg23[%swap3A_717, %swap3A_718] {strides = array<i32>} : memref<1x128xf32, #tpu.memory_space<vmem>>, vector<16xf32>,
      tpu.vector_store %arg23[%swap3A_717, %swap3A_718], %max3A_715 {strides = array<i32>} : memref<1x128xf32, #tpu.memory_space<vmem>>, vector<16xf32>,
      %get3A_720 = arith.constant 80 : index
      %get3A_721 = tpu.vector_load %arg19[%get3A_720] {strides = array<i32>} : memref<128xf32, #tpu.memory_space<vmem>>, vector<16xf32>,
      %add3A_722 = arith.addf %scan3A_668#5, %get3A_721 : vector<16xf32>
      %max3A_723 = arith.constant 0.000000e+00 : f32
      %max3A_724 = vector.broadcast %max3A_723 : f32 to vector<16xf32>
      %max3A_725 = arith.maximumf %add3A_722, %max3A_724 : vector<16xf32>
      %swap3A_726 = arith.constant 0 : i32
      %swap3A_727 = arith.index_cast %swap3A_726 : i32 to index
      %swap3A_728 = arith.constant 80 : index
      %swap3A_729 = tpu.vector_load %arg23[%swap3A_727, %swap3A_728] {strides = array<i32>} : memref<1x128xf32, #tpu.memory_space<vmem>>, vector<16xf32>,
      tpu.vector_store %arg23[%swap3A_727, %swap3A_728], %max3A_725 {strides = array<i32>} : memref<1x128xf32, #tpu.memory_space<vmem>>, vector<16xf32>,
      %get3A_730 = arith.constant 96 : index
      %get3A_731 = tpu.vector_load %arg19[%get3A_730] {strides = array<i32>} : memref<128xf32, #tpu.memory_space<vmem>>, vector<16xf32>,
      %add3A_732 = arith.addf %scan3A_668#6, %get3A_731 : vector<16xf32>
      %max3A_733 = arith.constant 0.000000e+00 : f32
      %max3A_734 = vector.broadcast %max3A_733 : f32 to vector<16xf32>
      %max3A_735 = arith.maximumf %add3A_732, %max3A_734 : vector<16xf32>
      %swap3A_736 = arith.constant 0 : i32
      %swap3A_737 = arith.index_cast %swap3A_736 : i32 to index
      %swap3A_738 = arith.constant 96 : index
      %swap3A_739 = tpu.vector_load %arg23[%swap3A_737, %swap3A_738] {strides = array<i32>} : memref<1x128xf32, #tpu.memory_space<vmem>>, vector<16xf32>,
      tpu.vector_store %arg23[%swap3A_737, %swap3A_738], %max3A_735 {strides = array<i32>} : memref<1x128xf32, #tpu.memory_space<vmem>>, vector<16xf32>,
      %get3A_740 = arith.constant 112 : index
      %get3A_741 = tpu.vector_load %arg19[%get3A_740] {strides = array<i32>} : memref<128xf32, #tpu.memory_space<vmem>>, vector<16xf32>,
      %add3A_742 = arith.addf %scan3A_668#7, %get3A_741 : vector<16xf32>
      %max3A_743 = arith.constant 0.000000e+00 : f32
      %max3A_744 = vector.broadcast %max3A_743 : f32 to vector<16xf32>
      %max3A_745 = arith.maximumf %add3A_742, %max3A_744 : vector<16xf32>
      %swap3A_746 = arith.constant 0 : i32
      %swap3A_747 = arith.index_cast %swap3A_746 : i32 to index
      %swap3A_748 = arith.constant 112 : index
      %swap3A_749 = tpu.vector_load %arg23[%swap3A_747, %swap3A_748] {strides = array<i32>} : memref<1x128xf32, #tpu.memory_space<vmem>>, vector<16xf32>,
      tpu.vector_store %arg23[%swap3A_747, %swap3A_748], %max3A_745 {strides = array<i32>} : memref<1x128xf32, #tpu.memory_space<vmem>>, vector<16xf32>,
      "tpu.region"() ({
        %run_scoped3A = tpu.sem_alloc : memref<!tpu.dma_semaphore, #tpu.memory_space<semaphore_mem>>
        tpu.enqueue_dma source(%arg23 : memref<1x128xf32, #tpu.memory_space<vmem>>) target(%arg11 : memref<1x128xf32, #tpu.memory_space<hbm>>) target_semaphore(%run_scoped3A : memref<!tpu.dma_semaphore, #tpu.memory_space<semaphore_mem>>)
        tpu.wait_dma2 semaphore(%run_scoped3A : memref<!tpu.dma_semaphore, #tpu.memory_space<semaphore_mem>>) src(%arg23 : memref<1x128xf32, #tpu.memory_space<vmem>>) dst(%arg11 : memref<1x128xf32, #tpu.memory_space<hbm>>)
        tpu.yield
      }) : () -> ()
    } else {
    }
    return
  }
}

</mosaic_0001>

<sc_bundles>
// kernel: kernel.3.cloned.1.call-start
scs
__scs_entry_jumppad:
0x0: {  	(pc) =	sbr.rel $0x88, $3  }
0x1: {  	(tag) =	ssettag $0x0;
	lr =	simm.s32 $0x1  }
0x2: {  	[smem:$0x3F97] =	sst lr;
	_ =	strace $0xD0000000  }
0x3: {  	_ = 	snop  }
0x4: {  	_ = 	snop  }
0x5: {  	_ = 	snop  }
0x6: {  	_ = 	snop  }
0x7: {  	_ = 	snop  }
__scs_overlays_trampoline_lowered:
0x8: {  	[smem:$0x3FA6] =	sst s0  }
0x9: {  	[smem:$0x3FA7] =	sst s1  }
0xa: {  	[smem:$0x3FA8] =	sst s2  }
0xb: {  	[smem:$0x3FA9] =	sst s3  }
0xc: {  	[smem:$0x3FAA] =	sst s4  }
0xd: {  	[smem:$0x3FAB] =	sst s5  }
0xe: {  	[smem:$0x3FAC] =	sst s6  }
0xf: {  	[smem:$0x3FAD] =	sst s7  }
0x10: {  	[smem:$0x3FAE] =	sst s8  }
0x11: {  	[smem:$0x3FAF] =	sst s9;
	s0 =	simm.s32 @!p0 $0x0  }
0x12: {  	s1 =	sld [smem:$0x3F95];
	s0 =	simm.s32 @p0 $0x1  }
0x13: {  	[smem:$0x3FB0] =	sst s0;
	s0 =	simm.s32 @!p1 $0x0  }
0x14: {  	s2 =	sld [smem:$0x3F94];
	s0 =	simm.s32 @p1 $0x1  }
0x15: {  	[smem:$0x3FB1] =	sst s0;
	s0 =	simm.s32 @!p2 $0x0  }
0x16: {  	s3 =	sld [smem:$0x3FDB];
	s0 =	simm.s32 @p2 $0x1  }
0x17: {  	s4 =	simm.s32 $0x1BF5;
	[smem:$0x3FB3] =	sst s0  }
0x18: {  	s0 =	sld [smem:$0x3F96];
	_ =	swait.ge [sflag:s4], $0x0  }
0x19: {  	s7 =	sld [smem:$0x3F97]  }
0x1a: {  	s8 =	sadd.s32 $0xFFFFE003, lr  }
0x1b: {  	s9 =	sadd.s32 $0xFFFFFEF7, lr;
	s5 =	simm.s32 $0xFFFFFFFF;
	p2 =	slt.u32 s8, $0xFFFFF086  }
0x1c: {  	p1 =	slt.u32 s9, $0xF7A;
	s5 =	simm.s32 @!p2 $0x0  }
0x1d: {  	s5 =	simm.s32 @p1 $0x1;
	p0 =	seq.s32 s7, s2  }
0x1e: {  	s7 =	smul.u32 @!p0 $0xF7A, s2;
	p2 =	seq.s32 @!p0 s5, $0x0  }
0x1f: {  	s9 =	smul.u32 $0xF7A, s1;
	s8 =	simm.s32 @!p0 $0x1BF5;
	p2 =	por !p2, p0  }
0x20: {  	[sflag:s8] =	ssyncset.s32 @!p0 $0xFFFFF086;
	s6 =	sadd.s32 @!p0 s3, s7;
	s7 =	simm.s32 @!p0 $0x108  }
0x21: {  	s3 =	sadd.s32 s3, s9;
	s6 =	sadd.s32 @!p0 $0x88, s6;
	s7 =	simm.s32 @p2 $0x1082  }
0x22: {  	[simem:s7], [sflag:s8] =	dma.local @!p0 [hbm:s6], $0xF7A  }
0x23: {  	s9 =	sor.u32 $0xD0000000, s2;
	s6 =	simm.s32 $0x108;
	_ =	swait.ge @!p0 [sflag:s8], $0x0  }
0x24: {  	s3 =	sadd.s32 $0x88, s3;
	s6 =	simm.s32 @!p1 $0x1082;
	[sflag:s4] =	ssyncset.s32 $0xFFFFF086  }
0x25: {  	[simem:s6], [sflag:s4] =	dma.local [hbm:s3], $0xF7A  }
0x26: {  	[smem:$0x3F97] =	sst s1;
	(tag) =	ssettag s2;
	_ =	strace s9  }
0x27: {  	s1 =	sld [smem:$0x3FA7]  }
0x28: {  	s2 =	sld [smem:$0x3FA8]  }
0x29: {  	s4 =	sld [smem:$0x3FAA]  }
0x2a: {  	p0 =	seq.s32 s5, $0x0;
	s5 =	sld [smem:$0x3FAB]  }
0x2b: {  	s6 =	sld [smem:$0x3FAC]  }
0x2c: {  	s7 =	sld [smem:$0x3FAD]  }
0x2d: {  	s3 =	simm.s32 $0x108;
	s8 =	sld [smem:$0x3FAE]  }
0x2e: {  	s3 =	simm.s32 @!p0 $0x1082;
	s9 =	sld [smem:$0x3FAF]  }
0x2f: {  	lr =	sadd.s32 s0, s3;
	s0 =	sld [smem:$0x3FA6]  }
0x30: {  	s3 =	sld [smem:$0x3FA9]  }
0x31: {  	[smem:$0x3FB2] =	sst s10  }
0x32: {  	s10 =	sld [smem:$0x3FB0];
	_ =	sdelay $0x3  }
0x33: {  	p0 =	seq.s32 s10, $0x1;
	s10 =	sld [smem:$0x3FB2];
	_ =	sdelay $0x3  }
0x34: {  	[smem:$0x3FB2] =	sst s10  }
0x35: {  	s10 =	sld [smem:$0x3FB1];
	_ =	sdelay $0x3  }
0x36: {  	p1 =	seq.s32 s10, $0x1;
	s10 =	sld [smem:$0x3FB2];
	_ =	sdelay $0x3  }
0x37: {  	[smem:$0x3FB2] =	sst s10  }
0x38: {  	s10 =	sld [smem:$0x3FB3]  }
0x39: {  	_ = 	snop;
	(pc) =	sbr.ind lr, $3  }
0x3a: {  	_ = 	snop  }
0x3b: {  	_ = 	snop  }
0x3c: {  	p2 =	seq.s32 s10, $0x1;
	s10 =	sld [smem:$0x3FB2]  }
0x3d: {  	_ =	shalt  }
0x3e: {  	_ =	shalt  }
0x3f: {  	_ =	shalt  }
0x40: {  	_ =	shalt  }
0x41: {  	_ =	shalt  }
0x42: {  	_ =	shalt  }
0x43: {  	_ =	shalt  }
0x44: {  	_ =	shalt  }
0x45: {  	_ =	shalt  }
0x46: {  	_ =	shalt  }
0x47: {  	_ =	shalt  }
0x48: {  	_ =	shalt  }
0x49: {  	_ =	shalt  }
0x4a: {  	_ =	shalt  }
0x4b: {  	_ =	shalt  }
0x4c: {  	_ =	shalt  }
0x4d: {  	_ =	shalt  }
0x4e: {  	_ =	shalt  }
0x4f: {  	_ =	shalt  }
0x50: {  	_ =	shalt  }
0x51: {  	_ =	shalt  }
0x52: {  	_ =	shalt  }
0x53: {  	_ =	shalt  }
0x54: {  	_ =	shalt  }
0x55: {  	_ =	shalt  }
0x56: {  	_ =	shalt  }
0x57: {  	_ =	shalt  }
0x58: {  	_ =	shalt  }
0x59: {  	_ =	shalt  }
0x5a: {  	_ =	shalt  }
0x5b: {  	_ =	shalt  }
0x5c: {  	_ =	shalt  }
0x5d: {  	_ =	shalt  }
0x5e: {  	_ =	shalt  }
0x5f: {  	_ =	shalt  }
0x60: {  	_ =	shalt  }
0x61: {  	_ =	shalt  }
0x62: {  	_ =	shalt  }
0x63: {  	_ =	shalt  }
0x64: {  	_ =	shalt  }
0x65: {  	_ =	shalt  }
0x66: {  	_ =	shalt  }
0x67: {  	_ =	shalt  }
0x68: {  	_ =	shalt  }
0x69: {  	_ =	shalt  }
0x6a: {  	_ =	shalt  }
0x6b: {  	_ =	shalt  }
0x6c: {  	_ =	shalt  }
0x6d: {  	_ =	shalt  }
0x6e: {  	_ =	shalt  }
0x6f: {  	_ =	shalt  }
0x70: {  	_ =	shalt  }
0x71: {  	_ =	shalt  }
0x72: {  	_ =	shalt  }
0x73: {  	_ =	shalt  }
0x74: {  	_ =	shalt  }
0x75: {  	_ =	shalt  }
0x76: {  	_ =	shalt  }
0x77: {  	_ =	shalt  }
0x78: {  	_ =	shalt  }
0x79: {  	_ =	shalt  }
0x7a: {  	_ =	shalt  }
0x7b: {  	_ =	shalt  }
0x7c: {  	_ =	shalt  }
0x7d: {  	_ =	shalt  }
0x7e: {  	_ =	shalt  }
0x7f: {  	_ =	shalt  }
0x80: {  	_ =	shalt  }
0x81: {  	_ =	shalt  }
0x82: {  	_ =	shalt  }
0x83: {  	_ =	shalt  }
0x84: {  	_ =	shalt  }
0x85: {  	_ =	shalt  }
0x86: {  	_ =	shalt  }
0x87: {  	_ =	shalt  }
.Lfunc_end0:
.L_simem_size_0:
called_computation_lowered:
.L_overlay_start_0:
0x88: {  	s2 =	sld [smem:$0x3FD9]  }
0x89: {  	s3 =	sld [smem:$0x3FFE];
	_ =	sdelay $0x1  }
0x8a: {  	s1 =	srdreg.scid  }
0x8b: {  	s0 =	sand.u32 $0x1, s1  }
0x8c: {  	s17 =	sshll.u32 s0, $0xA;
	s2 =	sadd.s32 s3, s2  }
0x8d: {  	s2 =	sadd.s32 s2, s17  }
0x8e: {  	[smem:$0x3FBE] =	sst s2  }
0x8f: {  	_ = 	snop  }
0x90: {  	s2 =	sld [smem:$0x3FC9]  }
0x91: {  	s18 =	sld [smem:$0x3FC8]  }
0x92: {  	s4 =	sld [smem:$0x3FC5]  }
0x93: {  	s5 =	sld [smem:$0x3FC4]  }
0x94: {  	s6 =	sld [smem:$0x3FC3]  }
0x95: {  	s7 =	sld [smem:$0x3FC2]  }
0x96: {  	s8 =	sld [smem:$0x3FC1]  }
0x97: {  	s9 =	sld [smem:$0x3FC0]  }
0x98: {  	s10 =	sld [smem:$0x3FD0];
	(tm) =	ssettm $0x1  }
0x99: {  	s11 =	sld [smem:$0x3FFB];
	_ =	sdelay $0x3  }
0x9a: {  	_ =	strace s11  }
0x9b: {  	s11 =	sld [smem:$0x3FFC];
	_ =	sdelay $0x3  }
0x9c: {  	_ =	strace s11  }
0x9d: {  	s11 =	sld [smem:$0x3FFD];
	_ =	sdelay $0x3  }
0x9e: {  	_ =	strace s11  }
0x9f: {  	_ =	strace $0x8FFFFFFF  }
0xa0: {  	s19 =	sld [smem:$0x3FDB];
	_ =	sdelay $0x1  }
0xa1: {  	s12 =	simm.s32 $_scs_section_size  }
0xa2: {  	s13 =	simm.s32 $_size__tile_overlayer_lowered;
	s14 =	simm.s32 $_tile_overlayer_lowered  }
0xa3: {  	s22 =	simm.s32 $0x1BFF;
	s21 =	sshll.u32 s14, $0x1;
	s11 =	sadd.s32 s12, s19  }
0xa4: {  	s15 =	simm.s32 $0x0;
	s20 =	sshll.u32 s13, $0x1;
	s13 =	sadd.s32 s21, s11  }
0xa5: {  	[timem:s15], [sflag:s22] =	dma.local [hbm:s13], s20  }
0xa6: {  	_ =	swait.ge [sflag:s22], s20  }
0xa7: {  	s12 =	ssub.s32 $0x0, s20;
	[sflag:s22] =	ssyncset.done $0x0  }
0xa8: {  	[sflag:s22] =	ssyncadd.s32 s12;
	_ =	sdelay $0x1  }
0xa9: {  	s23 =	simm.s32 $0x1B8B  }
0xaa: {  	_ =	swait.ge [sflag:s23], $0x1  }
0xab: {  	[sflag:s23] =	ssyncset.done $0x0  }
0xac: {  	s25 =	simm.s32 $0x1B8E;
	s24 =	sld [smem:$0x3FFE];
	[sflag:s23] =	ssyncadd.s32 $0xFFFFFFFF  }
0xad: {  	s26 =	simm.s32 $execute0_lowered;
	[smem:$0x3FD2] =	sst s25  }
0xae: {  	s13 =	sshll.u32 s26, $0x1;
	_ =	strace $0x80000046;
	[dreg:$0x1] =	wrdreg $0xFFFFFFFF  }
0xaf: {  	s28 =	simm.s32 $_size_execute0_lowered;
	s11 =	sadd.s32 s11, s13;
	[dreg:$0x0] =	wrdreg $0x0  }
0xb0: {  	s13 =	sshll.u32 s28, $0x1;
	[dreg:$0x2] =	wrdreg s11  }
0xb1: {  	[dreg:$0x3] =	wrdreg s13  }
0xb2: {  	[dreg:$0x4] =	wrdreg $0xC0  }
0xb3: {  	_ =	task [dreg:s15], $0x5FFFF  }
0xb4: {  	[dreg:$0x1] =	wrdreg $0xFFFFFFFF  }
0xb5: {  	[dreg:$0x0] =	wrdreg $0x60  }
0xb6: {  	[dreg:$0x2] =	wrdreg s2  }
0xb7: {  	[dreg:$0x3] =	wrdreg s18  }
0xb8: {  	[dreg:$0x4] =	wrdreg s24  }
0xb9: {  	[dreg:$0x5] =	wrdreg s4  }
0xba: {  	[dreg:$0x6] =	wrdreg s5  }
0xbb: {  	[dreg:$0x7] =	wrdreg s6  }
0xbc: {  	[dreg:$0x8] =	wrdreg s7  }
0xbd: {  	[dreg:$0x9] =	wrdreg s8  }
0xbe: {  	[dreg:$0xa] =	wrdreg s9  }
0xbf: {  	[dreg:$0xb] =	wrdreg s10  }
0xc0: {  	[dreg:$0xc] =	wrdreg $0x9  }
0xc1: {  	_ =	task.clear_ibuf [dreg:s15], $0xDFFFF;
	_ =	strace $0x90000046  }
0xc2: {  	s29 =	simm.s32 $0x9;
	_ =	strace $0x80000048  }
0xc3: {  	_ =	swait.ge [sflag:s29], $0x1  }
0xc4: {  	[sflag:s29] =	ssyncadd.s32 $0xFFFFFFFF  }
0xc5: {  	_ =	strace $0x90000048  }
0xc6: {  	_ =	sfence  }
0xc7: {  	s30 =	sld [smem:$0x0];
	_ =	sdelay $0x2  }
0xc8: {  	s31 =	sshll.u32 s1, $0xD;
	s1 =	sshrl.u32 s1, $0x2  }
0xc9: {  	s3 =	sand.u32 $0x4000, s31;
	s1 =	sadd.s32 s1, s30  }
0xca: {  	s0 =	sor.u32 s3, s0;
	s1 =	sshll.u32 s1, $0x11  }
0xcb: {  	s0 =	sor.u32 s1, s0  }
0xcc: {  	s0 =	sadd.s32 $0x8F2B, s0  }
0xcd: {  	[sflag:s0] =	ssyncadd.remote.s32 $0x1  }
0xce: {  	_ =	sfence.sel $0xFFFF  }
0xcf: {  	[dreg:$0x0] =	wrdreg $0xFFFFFFFF;
	(pc) =	sbr.abs _section_cstart, $3  }
0xd0: {  	[dreg:$0x1] =	wrdreg $0xFFFFFFFF  }
0xd1: {  	_ =	task.clear_ibuf [dreg:s15], $0x2FFFF;
	_ =	strace $0x9FFFFFFF  }
0xd2: {  	(tm) =	ssettm $0x7FFFFFFF  }
0xd3: {  	_ =	shalt  }
tec
execute0_lowered:
.L_overlay_start_1:
0x0: {  	(tag) =	ssettag $0x1  }
0x1: {  	s0 =	rddreg [dreg:$0x0]  }
0x2: {  	s1 =	rddreg [dreg:$0x1];
	s8 =	srdreg.scid  }
0x3: {  	s6 =	rddreg [dreg:$0x2];
	s11 =	stileid.u32;
	s8 =	sand.u32 $0x1, s8  }
0x4: {  	s2 =	rddreg [dreg:$0x3];
	s11 =	sor.u32 s11, s8  }
0x5: {  	s3 =	rddreg [dreg:$0x4];
	p0 =	sne.s32 s11, $0x0  }
.Ltmp0:
0x6: {  	s4 =	rddreg [dreg:$0x5];
	(pc) =	sbr.rel @p0 .LBB2_7-.Ltmp0, $4  }
0x7: {  	s5 =	rddreg [dreg:$0x6]  }
0x8: {  	s7 =	rddreg [dreg:$0x7]  }
0x9: {  	s9 =	rddreg [dreg:$0x8]  }
0xa: {  	s10 =	rddreg [dreg:$0x9];
	_ =	strace $0x80000047  }
0xb: {  	v0 =	vimm.s32 $0xEFCDAB89;
	v1 =	vimm.s32 $0x67452301;
	v2 =	vimm.s32 $0xDCFE98BA  }
0xc: {  	v3 =	vimm.s32 $0x54761032;
	v4 =	vimm.s32 $0xBA98FEDC;
	v5 =	vimm.s32 $0x32107654  }
0xd: {  	v6 =	vimm.s32 $0xFEDCBA98;
	v7 =	vimm.s32 $0x76543210;
	v0 =	vunpack.c.l.s4.s8 v0  }
0xe: {  	v1 =	vunpack.c.l.s4.s8 v1;
	v2 =	vunpack.c.l.s4.s8 v2;
	v3 =	vunpack.c.l.s4.s8 v3  }
0xf: {  	v4 =	vunpack.c.l.s4.s8 v4;
	v5 =	vunpack.c.l.s4.s8 v5;
	v6 =	vunpack.c.l.s4.s8 v6  }
0x10: {  	s8 =	ssub.s32 $0x2, s8;
	s11 =	sadd.s32 $0x400, s6;
	v0 =	vunpack.c.0.s8.s32 v0;
	v1 =	vunpack.c.0.s8.s32 v1;
	v2 =	vunpack.c.0.s8.s32 v2  }
0x11: {  	s13 =	simm.s32 $0x0;
	s17 =	simm.s32 $0x100;
	s18 =	simm.s32 $0x180;
	v3 =	vunpack.c.0.s8.s32 v3;
	v4 =	vunpack.c.0.s8.s32 v4;
	v5 =	vunpack.c.0.s8.s32 v5  }
0x12: {  	s19 =	simm.s32 $0x4200;
	s20 =	simm.s32 $0x8280;
	s21 =	simm.s32 $0x5;
	v0 =	vcombine.low v1, v0;
	v1 =	vunpack.c.l.s4.s8 v7  }
0x13: {  	s22 =	simm.s32 $0x1;
	s23 =	simm.s32 $0x8300;
	s24 =	simm.s32 $0x8500;
	v2 =	vcombine.low v3, v2;
	v3 =	vcombine.low v5, v4;
	v4 =	vunpack.c.0.s8.s32 v6  }
0x14: {  	s25 =	simm.s32 $0x2;
	s26 =	simm.s32 $0x8380;
	s28 =	simm.s32 $0x4;
	v0 =	vand.u32 $0xF, v0;
	v5 =	vunpack.c.0.s8.s32 v1  }
0x15: {  	s29 =	simm.s32 $0x3;
	s30 =	simm.s32 $0x8400;
	s12 =	sshrl.u32 s8, $0x1;
	v1 =	vand.u32 $0xF, v2;
	v2 =	vand.u32 $0xF, v3;
	v3 =	vand.u32 $0xF, v4  }
0x16: {  	s31 =	simm.s32 $0x8480;
	s12 =	ssub.s32 s8, s12;
	s8 =	simm.s32 $0x0;
	v4 =	vimm.f32 $-5.000000000e-01;
	v3 =	vcombine.low v3, v5;
	v5 =	vimm.f32 $-1.000000000e+00  }
.LBB2_2:
0x17: {  	s6 =	simm.s32 $0x200  }
0x18: {  	[tilespmem:s6], [sflag:$0x2] =	stream.linear.gather [hbm4b:s4+s13], $0x4000, $0x38;
	[tilespmem:$0x8580] =	vst v63  }
0x19: {  	s14 =	simm.s32 $0x4280  }
0x1a: {  	[tilespmem:s14], [sflag:$0x3] =	stream.linear.gather [hbm4b:s7+s13], $0x4000, $0x38;
	[tilespmem:$0x8580] =	vst v63  }
0x1b: {  	s15 =	simm.s32 $0x80  }
0x1c: {  	[tilespmem:s15], [sflag:$0x1] =	stream.linear.gather [hbm4b:s11+s13], $0x80, $0x38;
	[tilespmem:$0x8580] =	vst v63  }
0x1d: {  	_ = 	snop  }
0x1e: {  	[tilespmem:s17], [sflag:$0x1] =	stream.linear.gather [hbm4b:s2+s13], $0x80, $0x38;
	[tilespmem:$0x8580] =	vst v63  }
0x1f: {  	_ = 	snop  }
0x20: {  	[tilespmem:s18], [sflag:$0x1] =	stream.linear.gather [hbm4b:s3+s13], $0x80, $0x38;
	[tilespmem:$0x8580] =	vst v63  }
0x21: {  	_ = 	snop  }
0x22: {  	[tilespmem:s19], [sflag:$0x1] =	stream.linear.gather [hbm4b:s5+s13], $0x80, $0x38;
	[tilespmem:$0x8580] =	vst v63  }
0x23: {  	_ = 	snop  }
0x24: {  	[tilespmem:s20], [sflag:$0x1] =	stream.linear.gather [hbm4b:s9+s13], $0x80, $0x38;
	[tilespmem:$0x8580] =	vst v63  }
0x25: {  	_ = 	snop  }
0x26: {  	[tilespmem:s13], [sflag:$0x5] =	stream.linear.gather [hbm4b:s0+s13], $0x80, $0x38;
	[tilespmem:$0x8580] =	vst v63  }
0x27: {  	_ =	swait.ge [sflag:s21], $0x80  }
0x28: {  	[sflag:s21] =	ssyncset.done $0x0  }
0x29: {  	[sflag:s21] =	ssyncadd.s32 $0xFFFFFF80  }
0x2a: {  	[tilespmem:s23], [sflag:$0x4] =	stream.indirect.gather [hbm4b:s1+s22], $0x80, s13, s22, $0xb8;
	[tilespmem:$0x8580] =	vst v63  }
0x2b: {  	_ =	swait.ge [sflag:s22], $0x80  }
0x2c: {  	[sflag:s22] =	ssyncset.done $0x0  }
0x2d: {  	[sflag:s22] =	ssyncadd.s32 $0xFFFFFF80  }
0x2e: {  	_ =	swait.ge [sflag:s22], $0x80  }
0x2f: {  	[sflag:s22] =	ssyncset.done $0x0  }
0x30: {  	[sflag:s22] =	ssyncadd.s32 $0xFFFFFF80  }
0x31: {  	_ =	swait.ge [sflag:s22], $0x80  }
0x32: {  	[sflag:s22] =	ssyncset.done $0x0  }
0x33: {  	[sflag:s22] =	ssyncadd.s32 $0xFFFFFF80  }
0x34: {  	_ =	swait.ge [sflag:s22], $0x80  }
0x35: {  	[sflag:s22] =	ssyncset.done $0x0  }
0x36: {  	[sflag:s22] =	ssyncadd.s32 $0xFFFFFF80  }
0x37: {  	_ =	swait.ge [sflag:s22], $0x80  }
0x38: {  	[sflag:s22] =	ssyncset.done $0x0  }
0x39: {  	[sflag:s22] =	ssyncadd.s32 $0xFFFFFF80  }
0x3a: {  	v6 =	vld [tilespmem:$0x80]  }
0x3b: {  	v7 =	vld [tilespmem:$0x90]  }
0x3c: {  	v8 =	vld [tilespmem:$0xA0]  }
0x3d: {  	v9 =	vld [tilespmem:$0xB0];
	_ =	sdelay $0x2  }
0x3e: {  	v6 =	vmax.f32 v6, v7  }
0x3f: {  	v6 =	vmax.f32 v6, v8  }
0x40: {  	v6 =	vmax.f32 v6, v9  }
0x41: {  	[tilespmem:$0x8500] =	vst v6  }
0x42: {  	v7 =	vld.idx.msk [tilespmem:v0+s24+$0x0], $0xffff;
	_ =	sdelay $0x4  }
0x43: {  	v6 =	vmax.f32 v6, v7  }
0x44: {  	[tilespmem:$0x8500] =	vst v6  }
0x45: {  	v7 =	vld.idx.msk [tilespmem:v1+s24+$0x0], $0xffff;
	_ =	sdelay $0x4  }
0x46: {  	v6 =	vmax.f32 v6, v7  }
0x47: {  	[tilespmem:$0x8500] =	vst v6  }
0x48: {  	v7 =	vld.idx.msk [tilespmem:v2+s24+$0x0], $0xffff;
	_ =	sdelay $0x4  }
0x49: {  	v6 =	vmax.f32 v6, v7  }
0x4a: {  	[tilespmem:$0x8500] =	vst v6  }
0x4b: {  	v7 =	vld.idx.msk [tilespmem:v3+s24+$0x0], $0xffff  }
0x4c: {  	v8 =	vld [tilespmem:$0xC0];
	_ =	sdelay $0x2  }
0x4d: {  	v9 =	vld [tilespmem:$0x100]  }
0x4e: {  	v6 =	vmax.f32 v6, v7  }
0x4f: {  	v7 =	vld [tilespmem:$0x180];
	v6 =	vmax.f32 v6, v8  }
0x50: {  	v6 =	vsub.f32 v6, v8;
	_ =	sdelay $0x1  }
0x51: {  	v8 =	vmul.f32 v6, v9;
	_ =	sdelay $0x1  }
0x52: {  	v7 =	vadd.f32 v8, v7;
	_ =	sdelay $0x1  }
0x53: {  	v8 =	vmul.f32 $3.183098730e-01, v7;
	_ =	sdelay $0x1  }
0x54: {  	vm0 =	vge.f32 v8, $0.0e+00  }
0x55: {  	v9 =	vsel vm0, $0x3F000000, v4  }
0x56: {  	v8 =	vadd.f32 v9, v8;
	_ =	sdelay $0x1  }
0x57: {  	v8 =	vtrunc.f32 v8  }
0x58: {  	v8 =	vcvt.f32.s32 v8;
	_ =	sdelay $0x1  }
0x59: {  	v9 =	vcvt.s32.f32 v8;
	_ =	sdelay $0x1  }
0x5a: {  	v10 =	vmul.f32 $3.141592740e+00, v9;
	_ =	sdelay $0x1  }
0x5b: {  	v9 =	vmul.f32 $8.742277650e-08, v9;
	v7 =	vsub.f32 v7, v10  }
0x5c: {  	v10 =	vld [tilespmem:$0x110]  }
0x5d: {  	v7 =	vadd.f32 v9, v7  }
0x5e: {  	v9 =	vld [tilespmem:$0x190]  }
0x5f: {  	v11 =	vmul.f32 v7, v7;
	_ =	sdelay $0x1  }
0x60: {  	v10 =	vmul.f32 v10, v6;
	v12 =	vmul.f32 $2.755731880e-06, v11;
	_ =	sdelay $0x1  }
0x61: {  	v14 =	vld [tilespmem:$0x120];
	v9 =	vadd.f32 v9, v10;
	v12 =	vadd.f32 $-1.984127010e-04, v12  }
0x62: {  	v13 =	vmul.f32 $2.755732000e-07, v11  }
0x63: {  	v15 =	vld [tilespmem:$0x1A0];
	v10 =	vmul.f32 v12, v11;
	v12 =	vmul.f32 $3.183098730e-01, v9;
	_ =	sdelay $0x1  }
0x64: {  	v13 =	vsub.f32 $2.480158760e-05, v13;
	vm9 =	vge.f32 v12, $0.0e+00  }
0x65: {  	v17 =	vld [tilespmem:$0x130];
	v14 =	vmul.f32 v14, v6;
	v16 =	vsel vm9, $0x3F000000, v4  }
0x66: {  	v13 =	vmul.f32 v13, v11;
	v12 =	vadd.f32 v16, v12  }
0x67: {  	v14 =	vadd.f32 v15, v14;
	v10 =	vadd.f32 $8.333333770e-03, v10;
	v16 =	vld [tilespmem:$0x1B0]  }
0x68: {  	v8 =	vand.u32 $0x1, v8;
	v13 =	vadd.f32 $-1.388888920e-03, v13;
	v12 =	vtrunc.f32 v12  }
0x69: {  	vm10 =	veq.s32 v8, $0x0;
	v10 =	vmul.f32 v10, v11;
	v12 =	vcvt.f32.s32 v12  }
0x6a: {  	v15 =	vsel vm10, $0x3F800000, v5;
	v6 =	vmul.f32 v17, v6;
	v8 =	vmul.f32 v13, v11  }
0x6b: {  	v7 =	vmul.f32 v7, v15;
	v10 =	vadd.f32 $-1.666666720e-01, v10;
	v13 =	vcvt.s32.f32 v12  }
0x6c: {  	v17 =	vmul.f32 $3.183098730e-01, v14;
	v8 =	vadd.f32 $4.166666790e-02, v8;
	v6 =	vadd.f32 v16, v6  }
0x6d: {  	v10 =	vmul.f32 v10, v11;
	v16 =	vmul.f32 $3.141592740e+00, v13  }
0x6e: {  	vm11 =	vge.f32 v17, $0.0e+00;
	v8 =	vmul.f32 v8, v11;
	v18 =	vmul.f32 $3.183098730e-01, v6  }
0x6f: {  	v10 =	vadd.f32 $1.000000000e+00, v10;
	v9 =	vsub.f32 v9, v16;
	v16 =	vsel vm11, $0x3F000000, v4  }
0x70: {  	v13 =	vmul.f32 $8.742277650e-08, v13;
	vm12 =	vge.f32 v18, $0.0e+00;
	v16 =	vadd.f32 v16, v17  }
0x71: {  	v8 =	vadd.f32 $-5.000000000e-01, v8;
	v7 =	vmul.f32 v10, v7;
	v10 =	vsel vm12, $0x3F000000, v4  }
0x72: {  	v9 =	vadd.f32 v13, v9;
	v10 =	vadd.f32 v10, v18;
	v13 =	vtrunc.f32 v16  }
0x73: {  	v8 =	vmul.f32 v8, v11;
	v11 =	vcvt.f32.s32 v13  }
0x74: {  	v13 =	vmul.f32 v9, v9;
	v10 =	vtrunc.f32 v10  }
0x75: {  	v10 =	vcvt.f32.s32 v10;
	v16 =	vcvt.s32.f32 v11  }
0x76: {  	v8 =	vadd.f32 $1.000000000e+00, v8;
	v17 =	vmul.f32 $2.755731880e-06, v13;
	v18 =	vmul.f32 $2.755732000e-07, v13  }
0x77: {  	v20 =	vcvt.s32.f32 v10;
	v19 =	vmul.f32 $3.141592740e+00, v16  }
0x78: {  	v8 =	vmul.f32 v8, v15;
	v15 =	vadd.f32 $-1.984127010e-04, v17;
	v17 =	vsub.f32 $2.480158760e-05, v18  }
0x79: {  	v16 =	vmul.f32 $8.742277650e-08, v16;
	v18 =	vmul.f32 $3.141592740e+00, v20;
	v14 =	vsub.f32 v14, v19  }
0x7a: {  	v15 =	vmul.f32 v15, v13;
	v17 =	vmul.f32 v17, v13  }
0x7b: {  	v6 =	vsub.f32 v6, v18;
	v14 =	vadd.f32 v16, v14;
	v16 =	vmul.f32 $8.742277650e-08, v20  }
0x7c: {  	v15 =	vadd.f32 $8.333333770e-03, v15;
	v17 =	vadd.f32 $-1.388888920e-03, v17  }
0x7d: {  	v7 =	vmul.f32 $8.000000000e+00, v7;
	v18 =	vmul.f32 v14, v14;
	v6 =	vadd.f32 v16, v6  }
0x7e: {  	v12 =	vand.u32 $0x1, v12;
	v15 =	vmul.f32 v15, v13;
	v16 =	vmul.f32 v17, v13  }
0x7f: {  	vm13 =	veq.s32 v12, $0x0;
	v12 =	vmul.f32 $2.755732000e-07, v18;
	v17 =	vmul.f32 v6, v6  }
0x80: {  	v19 =	vsel vm13, $0x3F800000, v5;
	v15 =	vadd.f32 $-1.666666720e-01, v15;
	v20 =	vmul.f32 $2.755731880e-06, v18  }
0x81: {  	v16 =	vadd.f32 $4.166666790e-02, v16;
	v12 =	vsub.f32 $2.480158760e-05, v12;
	v21 =	vmul.f32 $2.755732000e-07, v17  }
0x82: {  	v9 =	vmul.f32 v9, v19;
	v15 =	vmul.f32 v15, v13;
	v20 =	vadd.f32 $-1.984127010e-04, v20  }
0x83: {  	v16 =	vmul.f32 v16, v13;
	v12 =	vmul.f32 v12, v18;
	v21 =	vsub.f32 $2.480158760e-05, v21  }
0x84: {  	v22 =	vmul.f32 $2.755731880e-06, v17;
	v15 =	vadd.f32 $1.000000000e+00, v15;
	v20 =	vmul.f32 v20, v18  }
0x85: {  	v16 =	vadd.f32 $-5.000000000e-01, v16;
	v12 =	vadd.f32 $-1.388888920e-03, v12;
	v21 =	vmul.f32 v21, v17  }
0x86: {  	v9 =	vmul.f32 v15, v9;
	v15 =	vadd.f32 $8.333333770e-03, v20;
	v20 =	vadd.f32 $-1.984127010e-04, v22  }
0x87: {  	v13 =	vmul.f32 v16, v13;
	v12 =	vmul.f32 v12, v18;
	v16 =	vadd.f32 $-1.388888920e-03, v21  }
0x88: {  	v8 =	vmul.f32 $8.000000000e+00, v8;
	v11 =	vand.u32 $0x1, v11;
	v20 =	vmul.f32 v20, v17  }
0x89: {  	vm14 =	veq.s32 v11, $0x0;
	v12 =	vadd.f32 $4.166666790e-02, v12;
	v16 =	vmul.f32 v16, v17  }
0x8a: {  	v15 =	vmul.f32 v15, v18;
	v13 =	vadd.f32 $1.000000000e+00, v13;
	v20 =	vadd.f32 $8.333333770e-03, v20  }
0x8b: {  	v10 =	vand.u32 $0x1, v10;
	v12 =	vmul.f32 v12, v18;
	v16 =	vadd.f32 $4.166666790e-02, v16  }
0x8c: {  	v15 =	vadd.f32 $-1.666666720e-01, v15;
	v13 =	vmul.f32 v13, v19;
	v19 =	vmul.f32 v20, v17  }
0x8d: {  	vm15 =	veq.s32 v10, $0x0;
	v11 =	vadd.f32 $-5.000000000e-01, v12;
	v12 =	vmul.f32 v16, v17  }
0x8e: {  	v9 =	vmul.f32 $8.000000000e+00, v9;
	v15 =	vmul.f32 v15, v18;
	v19 =	vadd.f32 $-1.666666720e-01, v19  }
0x8f: {  	v16 =	vsel vm14, $0x3F800000, v5;
	v11 =	vmul.f32 v11, v18;
	v12 =	vadd.f32 $-5.000000000e-01, v12  }
0x90: {  	v15 =	vadd.f32 $1.000000000e+00, v15;
	v14 =	vmul.f32 v14, v16;
	v10 =	vmul.f32 v19, v17  }
0x91: {  	v18 =	vsel vm15, $0x3F800000, v5;
	v11 =	vadd.f32 $1.000000000e+00, v11;
	v12 =	vmul.f32 v12, v17  }
0x92: {  	[tilespmem:$0x8380] =	vst v7;
	v7 =	vmul.f32 v15, v14;
	v6 =	vmul.f32 v6, v18;
	v10 =	vadd.f32 $1.000000000e+00, v10  }
0x93: {  	[tilespmem:$0x83C0] =	vst v8;
	v8 =	vmul.f32 $8.000000000e+00, v13;
	v11 =	vmul.f32 v11, v16;
	v12 =	vadd.f32 $1.000000000e+00, v12  }
0x94: {  	[tilespmem:$0x8390] =	vst v9;
	v7 =	vmul.f32 $8.000000000e+00, v7;
	v6 =	vmul.f32 v10, v6  }
0x95: {  	[tilespmem:$0x83D0] =	vst v8;
	v8 =	vmul.f32 $8.000000000e+00, v11;
	v9 =	vmul.f32 v12, v18  }
0x96: {  	[tilespmem:$0x83A0] =	vst v7;
	v6 =	vmul.f32 $8.000000000e+00, v6  }
0x97: {  	[tilespmem:$0x83E0] =	vst v8;
	v7 =	vmul.f32 $8.000000000e+00, v9  }
0x98: {  	[tilespmem:$0x83B0] =	vst v6  }
0x99: {  	[tilespmem:$0x83F0] =	vst v7  }
0x9a: {  	_ =	swait.ge [sflag:s25], $0x4000  }
0x9b: {  	[sflag:s25] =	ssyncset.done $0x0  }
0x9c: {  	s6 =	simm.s32 $0x300;
	[sflag:s25] =	ssyncadd.s32 $0xFFFFC000  }
0x9d: {  	v7 =	vld [tilespmem:s6+$0x80]  }
0x9e: {  	v8 =	vld [tilespmem:s6+$0x90]  }
0x9f: {  	v9 =	vld [tilespmem:s6+$0xA0]  }
0xa0: {  	v10 =	vld [tilespmem:s6+$0xB0]  }
0xa1: {  	v11 =	vld [tilespmem:s6+$0xC0]  }
0xa2: {  	s14 =	simm.s32 $0x3;
	v12 =	vld [tilespmem:s6+$0xD0]  }
0xa3: {  	v6 =	vmov s14;
	v19 =	vld [tilespmem:s6+$0x0]  }
0xa4: {  	v13 =	vmov s13;
	v20 =	vld [tilespmem:s6+$0x10]  }
0xa5: {  	v13 =	vand.u32 $0xFFFFFFFC, v13;
	v25 =	vld [tilespmem:s6+$0xFFFFFF80]  }
0xa6: {  	s16 =	simm.s32 $0x2;
	v13 =	vbroadcast v13, $0x0;
	v26 =	vld [tilespmem:s6+$0xFFFFFF00]  }
0xa7: {  	v14 =	vmov s16;
	v27 =	vld [tilespmem:s6+$0xFFFFFF10]  }
0xa8: {  	s15 =	simm.s32 $0x1;
	v14 =	vand.u32 $0xFFFFFFFE, v14;
	v6 =	vld.idx.msk [tilespmem:v6+s26+$0x0], $0xffff  }
0xa9: {  	v15 =	vmov s15;
	v16 =	vbroadcast v14, $0x0;
	v28 =	vld [tilespmem:s6+$0xFFFFFF20]  }
0xaa: {  	v15 =	vand.u32 $0xFFFFFFFD, v15;
	v30 =	vld [tilespmem:s6+$0xFFFFFF30]  }
0xab: {  	v18 =	vbroadcast v15, $0x0;
	v31 =	vld [tilespmem:s6+$0xFFFFFF40]  }
0xac: {  	v29 =	vld.idx.msk [tilespmem:v13+s26+$0x0], $0xffff  }
0xad: {  	v17 =	vimm.f32 $0.0e+00;
	v14 =	vimm.f32 $0.0e+00;
	v32 =	vld [tilespmem:s6+$0xFFFFFF50]  }
0xae: {  	v15 =	vimm.f32 $0.0e+00;
	v33 =	vld [tilespmem:s6+$0xFFFFFF60];
	v21 =	vmul.f32 v7, v6;
	v22 =	vmul.f32 v8, v6  }
0xaf: {  	v13 =	vld.idx.msk [tilespmem:v16+s26+$0x0], $0xffff;
	v16 =	vimm.f32 $0.0e+00;
	v23 =	vmul.f32 v9, v6;
	v24 =	vmul.f32 v10, v6  }
0xb0: {  	v34 =	vld [tilespmem:s6+$0xFFFFFF70];
	v7 =	vmul.f32 v11, v6;
	v8 =	vmul.f32 v12, v6;
	v11 =	vimm.f32 $0.0e+00  }
0xb1: {  	s14 =	simm.s32 $0x4;
	v18 =	vld.idx.msk [tilespmem:v18+s26+$0x0], $0xffff;
	v12 =	vimm.f32 $0.0e+00;
	v9 =	vimm.f32 $0.0e+00;
	v10 =	vimm.f32 $0.0e+00  }
.LBB2_3:
0xb2: {  	p0 =	sne.s32 s14, $0x7C;
	v26 =	vmul.f32 v26, v29;
	v27 =	vmul.f32 v27, v29;
	v35 =	vld [tilespmem:s6+$0xFFFFFF90]  }
0xb3: {  	v28 =	vmul.f32 v28, v29;
	v30 =	vmul.f32 v30, v29;
	v36 =	vld [tilespmem:s6+$0xFFFFFFA0]  }
0xb4: {  	v31 =	vmul.f32 v31, v29;
	v32 =	vmul.f32 v32, v29;
	v37 =	vld [tilespmem:s6+$0xFFFFFFB0]  }
0xb5: {  	v33 =	vmul.f32 v33, v29;
	v29 =	vmul.f32 v34, v29;
	v34 =	vld [tilespmem:s6+$0x20]  }
0xb6: {  	v19 =	vmul.f32 v19, v13;
	v20 =	vmul.f32 v20, v13;
	v38 =	vld [tilespmem:s6+$0x30]  }
0xb7: {  	v25 =	vmul.f32 v25, v18;
	v35 =	vmul.f32 v35, v18;
	v39 =	vld [tilespmem:s6+$0x40]  }
0xb8: {  	v14 =	vadd.f32 v26, v14;
	v17 =	vadd.f32 v27, v17;
	v26 =	vmul.f32 v36, v18;
	v27 =	vld [tilespmem:s6+$0x50]  }
0xb9: {  	v16 =	vadd.f32 v28, v16;
	v15 =	vadd.f32 v30, v15;
	v28 =	vmul.f32 v37, v18;
	v30 =	vld [tilespmem:s6+$0xFFFFFFC0]  }
0xba: {  	v14 =	vadd.f32 v25, v14;
	v17 =	vadd.f32 v35, v17;
	v25 =	vld [tilespmem:s6+$0xFFFFFFD0];
	v34 =	vmul.f32 v34, v13  }
0xbb: {  	v16 =	vadd.f32 v26, v16;
	v15 =	vadd.f32 v28, v15;
	v26 =	vld [tilespmem:s6+$0xFFFFFFE0];
	v28 =	vmul.f32 v38, v13  }
0xbc: {  	v14 =	vadd.f32 v19, v14;
	v17 =	vadd.f32 v20, v17;
	v35 =	vld [tilespmem:s6+$0xFFFFFFF0];
	v19 =	vmul.f32 v39, v13  }
0xbd: {  	v16 =	vadd.f32 v34, v16;
	v15 =	vadd.f32 v28, v15;
	v20 =	vmul.f32 v27, v13;
	v27 =	vld [tilespmem:s6+$0x60]  }
0xbe: {  	v14 =	vadd.f32 v21, v14;
	v17 =	vadd.f32 v22, v17;
	v28 =	vmul.f32 v30, v18;
	v30 =	vld [tilespmem:s6+$0x70]  }
0xbf: {  	v16 =	vadd.f32 v23, v16;
	v21 =	vmul.f32 v25, v18;
	v15 =	vadd.f32 v24, v15;
	v22 =	vld [tilespmem:s6+$0xE0]  }
0xc0: {  	v11 =	vadd.f32 v31, v11;
	v12 =	vadd.f32 v32, v12;
	v23 =	vmul.f32 v26, v18;
	v24 =	vld [tilespmem:s6+$0xF0];
	s6 =	sadd.s32 $0x200, s6  }
0xc1: {  	v9 =	vadd.f32 v33, v9;
	v10 =	vadd.f32 v29, v10;
	v36 =	vld [tilespmem:s6+$0x80];
	v18 =	vmul.f32 v35, v18  }
0xc2: {  	v11 =	vadd.f32 v28, v11;
	v12 =	vadd.f32 v21, v12;
	v35 =	vld [tilespmem:s6+$0x90];
	v21 =	vmul.f32 v27, v13  }
0xc3: {  	v9 =	vadd.f32 v23, v9;
	v37 =	vld [tilespmem:s6+$0xA0];
	v10 =	vadd.f32 v18, v10;
	v13 =	vmul.f32 v30, v13  }
0xc4: {  	v11 =	vadd.f32 v19, v11;
	v12 =	vadd.f32 v20, v12;
	v18 =	vld [tilespmem:s6+$0xB0];
	v20 =	vmul.f32 v22, v6  }
0xc5: {  	v9 =	vadd.f32 v21, v9;
	v38 =	vld [tilespmem:s6+$0xC0];
	v10 =	vadd.f32 v13, v10;
	v6 =	vmul.f32 v24, v6  }
0xc6: {  	v11 =	vadd.f32 v7, v11;
	v12 =	vadd.f32 v8, v12;
	v39 =	vld [tilespmem:s6+$0xD0]  }
0xc7: {  	s15 =	sadd.s32 $0x3, s14;
	v9 =	vadd.f32 v20, v9;
	v19 =	vld [tilespmem:s6+$0x0];
	v10 =	vadd.f32 v6, v10  }
0xc8: {  	v7 =	vmov s15;
	v6 =	vmov s14;
	v20 =	vld [tilespmem:s6+$0x10]  }
0xc9: {  	v6 =	vand.u32 $0xFFFFFFFC, v6;
	v25 =	vld [tilespmem:s6+$0xFFFFFF80]  }
0xca: {  	v8 =	vbroadcast v6, $0x0;
	v26 =	vld [tilespmem:s6+$0xFFFFFF00]  }
0xcb: {  	s15 =	sadd.s32 $0x2, s14;
	v27 =	vld [tilespmem:s6+$0xFFFFFF10]  }
0xcc: {  	s16 =	sadd.s32 $0x1, s14;
	v6 =	vmov s15;
	v28 =	vld [tilespmem:s6+$0xFFFFFF20]  }
0xcd: {  	v13 =	vmov s16;
	v21 =	vand.u32 $0xFFFFFFFE, v6;
	v6 =	vld.idx.msk [tilespmem:v7+s26+$0x0], $0xffff  }
0xce: {  	v7 =	vand.u32 $0xFFFFFFFD, v13;
	v13 =	vbroadcast v21, $0x0;
	v30 =	vld [tilespmem:s6+$0xFFFFFF30]  }
0xcf: {  	v7 =	vbroadcast v7, $0x0;
	v31 =	vld [tilespmem:s6+$0xFFFFFF40]  }
0xd0: {  	v29 =	vld.idx.msk [tilespmem:v8+s26+$0x0], $0xffff  }
.Ltmp1:
0xd1: {  	v32 =	vld [tilespmem:s6+$0xFFFFFF50];
	(pc) =	sbr.rel @p0 .LBB2_3-.Ltmp1, $4  }
0xd2: {  	v33 =	vld [tilespmem:s6+$0xFFFFFF60]  }
0xd3: {  	v21 =	vmul.f32 v36, v6;
	v22 =	vmul.f32 v35, v6;
	v34 =	vld [tilespmem:s6+$0xFFFFFF70]  }
0xd4: {  	v23 =	vmul.f32 v37, v6;
	v24 =	vmul.f32 v18, v6;
	v13 =	vld.idx.msk [tilespmem:v13+s26+$0x0], $0xffff  }
0xd5: {  	s14 =	sadd.s32 $0x4, s14;
	v8 =	vmul.f32 v39, v6;
	v18 =	vld.idx.msk [tilespmem:v7+s26+$0x0], $0xffff;
	v7 =	vmul.f32 v38, v6  }
0xd6: {  	v35 =	vld [tilespmem:s6+$0xFFFFFF90]  }
0xd7: {  	v36 =	vld [tilespmem:s6+$0xFFFFFFA0]  }
0xd8: {  	v37 =	vld [tilespmem:s6+$0xFFFFFFB0]  }
0xd9: {  	v38 =	vld [tilespmem:s6+$0x20]  }
0xda: {  	v39 =	vld [tilespmem:s6+$0x30]  }
0xdb: {  	v40 =	vld [tilespmem:s6+$0x40]  }
0xdc: {  	v41 =	vld [tilespmem:s6+$0x50]  }
0xdd: {  	v42 =	vld [tilespmem:s6+$0xFFFFFFC0]  }
0xde: {  	v43 =	vld [tilespmem:s6+$0xFFFFFFD0];
	v26 =	vmul.f32 v26, v29;
	v27 =	vmul.f32 v27, v29  }
0xdf: {  	v44 =	vld [tilespmem:s6+$0xFFFFFFE0];
	v28 =	vmul.f32 v28, v29;
	v30 =	vmul.f32 v30, v29  }
0xe0: {  	v45 =	vld [tilespmem:s6+$0xFFFFFFF0];
	v31 =	vmul.f32 v31, v29;
	v32 =	vmul.f32 v32, v29  }
0xe1: {  	v46 =	vld [tilespmem:s6+$0x60];
	v33 =	vmul.f32 v33, v29;
	v14 =	vadd.f32 v26, v14;
	v17 =	vadd.f32 v27, v17  }
0xe2: {  	v29 =	vmul.f32 v34, v29;
	v26 =	vld [tilespmem:s6+$0x70];
	v16 =	vadd.f32 v28, v16;
	v15 =	vadd.f32 v30, v15  }
0xe3: {  	v27 =	vld [tilespmem:s6+$0xE0];
	v11 =	vadd.f32 v31, v11;
	v12 =	vadd.f32 v32, v12;
	v19 =	vmul.f32 v19, v13  }
0xe4: {  	v30 =	vld [tilespmem:s6+$0xF0];
	_ =	swait.ge [sflag:s28], $0x80;
	v20 =	vmul.f32 v20, v13;
	v9 =	vadd.f32 v33, v9;
	v25 =	vmul.f32 v25, v18  }
0xe5: {  	[sflag:s28] =	ssyncset.done $0x0;
	v10 =	vadd.f32 v29, v10;
	v61 =	vmul.f32 v35, v18;
	v28 =	vmul.f32 v36, v18  }
0xe6: {  	[sflag:s28] =	ssyncadd.s32 $0xFFFFFF80;
	v62 =	vmul.f32 v42, v18;
	v14 =	vadd.f32 v25, v14;
	v25 =	vmul.f32 v37, v18  }
0xe7: {  	v31 =	vld [tilespmem:$0x8320];
	v17 =	vadd.f32 v61, v17;
	v16 =	vadd.f32 v28, v16;
	v28 =	vmul.f32 v39, v13  }
0xe8: {  	v29 =	vld [tilespmem:$0x4220];
	v11 =	vadd.f32 v62, v11;
	v15 =	vadd.f32 v25, v15;
	v25 =	vmul.f32 v38, v13  }
0xe9: {  	v63 =	vld [tilespmem:$0x8330];
	v14 =	vadd.f32 v19, v14;
	v19 =	vmul.f32 v40, v13;
	v17 =	vadd.f32 v20, v17  }
0xea: {  	v20 =	vld [tilespmem:$0x8300];
	v16 =	vadd.f32 v25, v16;
	v15 =	vadd.f32 v28, v15  }
0xeb: {  	v25 =	vmul.f32 v41, v13;
	v28 =	vld [tilespmem:$0x4200];
	v14 =	vadd.f32 v21, v14;
	v11 =	vadd.f32 v19, v11  }
0xec: {  	v21 =	vld [tilespmem:$0x8310];
	v17 =	vadd.f32 v22, v17;
	v22 =	vmul.f32 v43, v18;
	v16 =	vadd.f32 v23, v16  }
0xed: {  	v19 =	vld [tilespmem:$0x8340];
	v15 =	vadd.f32 v24, v15;
	v24 =	vmul.f32 v44, v18;
	v18 =	vmul.f32 v45, v18  }
0xee: {  	v23 =	vld [tilespmem:$0x4210];
	v7 =	vadd.f32 v7, v11;
	v12 =	vadd.f32 v22, v12;
	v22 =	vmul.f32 v46, v13  }
0xef: {  	v11 =	vld [tilespmem:$0x8350];
	v13 =	vmul.f32 v26, v13;
	v9 =	vadd.f32 v24, v9;
	v10 =	vadd.f32 v18, v10  }
0xf0: {  	v18 =	vld [tilespmem:$0x4230];
	v24 =	vmul.f32 v27, v6;
	v16 =	vadd.f32 v31, v16;
	v12 =	vadd.f32 v25, v12  }
0xf1: {  	v6 =	vmul.f32 v30, v6;
	v15 =	vadd.f32 v63, v15;
	v10 =	vadd.f32 v13, v10;
	v13 =	vld [tilespmem:$0x4240]  }
0xf2: {  	v8 =	vadd.f32 v8, v12;
	v12 =	vadd.f32 v20, v14;
	v14 =	vld [tilespmem:$0x4250]  }
0xf3: {  	v6 =	vadd.f32 v6, v10;
	v10 =	vadd.f32 v21, v17;
	v17 =	vld [tilespmem:$0x8360]  }
0xf4: {  	v9 =	vadd.f32 v22, v9;
	v20 =	vld [tilespmem:$0x8370];
	v12 =	vadd.f32 v28, v12  }
0xf5: {  	v7 =	vadd.f32 v19, v7;
	v21 =	vld [tilespmem:$0x4260];
	v10 =	vadd.f32 v23, v10  }
0xf6: {  	v9 =	vadd.f32 v24, v9;
	[tilespmem:$0x8400] =	vst v12;
	v12 =	vadd.f32 v29, v16;
	v16 =	vld [tilespmem:$0x4270]  }
0xf7: {  	v8 =	vadd.f32 v11, v8;
	v7 =	vadd.f32 v13, v7;
	[tilespmem:$0x8410] =	vst v10  }
0xf8: {  	v10 =	vadd.f32 v18, v15;
	[tilespmem:$0x8420] =	vst v12;
	v9 =	vadd.f32 v17, v9  }
0xf9: {  	v8 =	vadd.f32 v14, v8;
	v6 =	vadd.f32 v20, v6;
	[tilespmem:$0x8440] =	vst v7  }
0xfa: {  	[tilespmem:$0x8430] =	vst v10;
	v7 =	vadd.f32 v21, v9  }
0xfb: {  	[tilespmem:$0x8450] =	vst v8;
	v6 =	vadd.f32 v16, v6  }
0xfc: {  	[tilespmem:$0x8460] =	vst v7  }
0xfd: {  	[tilespmem:$0x8470] =	vst v6  }
0xfe: {  	_ =	swait.ge [sflag:s29], $0x4000  }
0xff: {  	[sflag:s29] =	ssyncset.done $0x0  }
0x100: {  	s6 =	simm.s32 $0x4380;
	[sflag:s29] =	ssyncadd.s32 $0xFFFFC000  }
0x101: {  	v7 =	vld [tilespmem:s6+$0x80]  }
0x102: {  	v8 =	vld [tilespmem:s6+$0x90]  }
0x103: {  	v9 =	vld [tilespmem:s6+$0xA0]  }
0x104: {  	v10 =	vld [tilespmem:s6+$0xB0]  }
0x105: {  	v11 =	vld [tilespmem:s6+$0xC0]  }
0x106: {  	v12 =	vld [tilespmem:s6+$0xD0]  }
0x107: {  	s14 =	simm.s32 $0x3;
	s15 =	simm.s32 $0x0;
	v23 =	vld [tilespmem:s6+$0x0]  }
0x108: {  	v13 =	vmov s15;
	v6 =	vmov s14;
	v24 =	vld [tilespmem:s6+$0x10]  }
0x109: {  	v13 =	vand.u32 $0xFFFFFFFC, v13;
	v25 =	vld [tilespmem:s6+$0xFFFFFF80]  }
0x10a: {  	s15 =	simm.s32 $0x2;
	v13 =	vbroadcast v13, $0x0;
	v27 =	vld [tilespmem:s6+$0xFFFFFF00]  }
0x10b: {  	v14 =	vmov s15;
	v28 =	vld [tilespmem:s6+$0xFFFFFF10]  }
0x10c: {  	s16 =	simm.s32 $0x1;
	v14 =	vand.u32 $0xFFFFFFFE, v14;
	v30 =	vld [tilespmem:s6+$0xFFFFFF20]  }
0x10d: {  	v15 =	vmov s16;
	v14 =	vbroadcast v14, $0x0;
	v6 =	vld.idx.msk [tilespmem:v6+s30+$0x0], $0xffff  }
0x10e: {  	v15 =	vand.u32 $0xFFFFFFFD, v15;
	v31 =	vld [tilespmem:s6+$0xFFFFFF30]  }
0x10f: {  	v18 =	vbroadcast v15, $0x0;
	v32 =	vld [tilespmem:s6+$0xFFFFFF40]  }
0x110: {  	v26 =	vld.idx.msk [tilespmem:v13+s30+$0x0], $0xffff  }
0x111: {  	v17 =	vimm.f32 $0.0e+00;
	v15 =	vimm.f32 $0.0e+00;
	v33 =	vld [tilespmem:s6+$0xFFFFFF50]  }
0x112: {  	v16 =	vimm.f32 $0.0e+00;
	v34 =	vld [tilespmem:s6+$0xFFFFFF60];
	v19 =	vmul.f32 v7, v6;
	v20 =	vmul.f32 v8, v6  }
0x113: {  	v13 =	vld.idx.msk [tilespmem:v14+s30+$0x0], $0xffff;
	v14 =	vimm.f32 $0.0e+00;
	v21 =	vmul.f32 v9, v6;
	v22 =	vmul.f32 v10, v6  }
0x114: {  	v29 =	vld [tilespmem:s6+$0xFFFFFF70];
	v8 =	vmul.f32 v11, v6;
	v7 =	vmul.f32 v12, v6;
	v11 =	vimm.f32 $0.0e+00  }
0x115: {  	s14 =	simm.s32 $0x4;
	v18 =	vld.idx.msk [tilespmem:v18+s30+$0x0], $0xffff;
	v12 =	vimm.f32 $0.0e+00;
	v9 =	vimm.f32 $0.0e+00;
	v10 =	vimm.f32 $0.0e+00  }
.LBB2_5:
0x116: {  	p0 =	sne.s32 s14, $0x7C;
	v27 =	vmul.f32 v27, v26;
	v28 =	vmul.f32 v28, v26;
	v35 =	vld [tilespmem:s6+$0xFFFFFF90]  }
0x117: {  	v30 =	vmul.f32 v30, v26;
	v31 =	vmul.f32 v31, v26;
	v36 =	vld [tilespmem:s6+$0xFFFFFFA0]  }
0x118: {  	v32 =	vmul.f32 v32, v26;
	v33 =	vmul.f32 v33, v26;
	v37 =	vld [tilespmem:s6+$0xFFFFFFB0]  }
0x119: {  	v34 =	vmul.f32 v34, v26;
	v26 =	vmul.f32 v29, v26;
	v29 =	vld [tilespmem:s6+$0x20]  }
0x11a: {  	v23 =	vmul.f32 v23, v13;
	v24 =	vmul.f32 v24, v13;
	v38 =	vld [tilespmem:s6+$0x30]  }
0x11b: {  	v25 =	vmul.f32 v25, v18;
	v35 =	vmul.f32 v35, v18;
	v39 =	vld [tilespmem:s6+$0x40]  }
0x11c: {  	v15 =	vadd.f32 v27, v15;
	v17 =	vadd.f32 v28, v17;
	v27 =	vmul.f32 v36, v18;
	v28 =	vld [tilespmem:s6+$0x50]  }
0x11d: {  	v16 =	vadd.f32 v30, v16;
	v14 =	vadd.f32 v31, v14;
	v30 =	vmul.f32 v37, v18;
	v31 =	vld [tilespmem:s6+$0xFFFFFFC0]  }
0x11e: {  	v15 =	vadd.f32 v25, v15;
	v17 =	vadd.f32 v35, v17;
	v25 =	vld [tilespmem:s6+$0xFFFFFFD0];
	v29 =	vmul.f32 v29, v13  }
0x11f: {  	v16 =	vadd.f32 v27, v16;
	v14 =	vadd.f32 v30, v14;
	v27 =	vld [tilespmem:s6+$0xFFFFFFE0];
	v30 =	vmul.f32 v38, v13  }
0x120: {  	v15 =	vadd.f32 v23, v15;
	v17 =	vadd.f32 v24, v17;
	v35 =	vld [tilespmem:s6+$0xFFFFFFF0];
	v23 =	vmul.f32 v39, v13  }
0x121: {  	v16 =	vadd.f32 v29, v16;
	v14 =	vadd.f32 v30, v14;
	v24 =	vmul.f32 v28, v13;
	v28 =	vld [tilespmem:s6+$0x60]  }
0x122: {  	v15 =	vadd.f32 v19, v15;
	v17 =	vadd.f32 v20, v17;
	v29 =	vmul.f32 v31, v18;
	v30 =	vld [tilespmem:s6+$0x70]  }
0x123: {  	v16 =	vadd.f32 v21, v16;
	v19 =	vmul.f32 v25, v18;
	v14 =	vadd.f32 v22, v14;
	v20 =	vld [tilespmem:s6+$0xE0]  }
0x124: {  	v11 =	vadd.f32 v32, v11;
	v12 =	vadd.f32 v33, v12;
	v21 =	vmul.f32 v27, v18;
	v22 =	vld [tilespmem:s6+$0xF0];
	s6 =	sadd.s32 $0x200, s6  }
0x125: {  	v9 =	vadd.f32 v34, v9;
	v10 =	vadd.f32 v26, v10;
	v36 =	vld [tilespmem:s6+$0x80];
	v18 =	vmul.f32 v35, v18  }
0x126: {  	v11 =	vadd.f32 v29, v11;
	v12 =	vadd.f32 v19, v12;
	v35 =	vld [tilespmem:s6+$0x90];
	v19 =	vmul.f32 v28, v13  }
0x127: {  	v9 =	vadd.f32 v21, v9;
	v37 =	vld [tilespmem:s6+$0xA0];
	v10 =	vadd.f32 v18, v10;
	v13 =	vmul.f32 v30, v13  }
0x128: {  	v11 =	vadd.f32 v23, v11;
	v12 =	vadd.f32 v24, v12;
	v18 =	vld [tilespmem:s6+$0xB0];
	v20 =	vmul.f32 v20, v6  }
0x129: {  	v9 =	vadd.f32 v19, v9;
	v38 =	vld [tilespmem:s6+$0xC0];
	v10 =	vadd.f32 v13, v10;
	v6 =	vmul.f32 v22, v6  }
0x12a: {  	v11 =	vadd.f32 v8, v11;
	v12 =	vadd.f32 v7, v12;
	v39 =	vld [tilespmem:s6+$0xD0]  }
0x12b: {  	s15 =	sadd.s32 $0x3, s14;
	v9 =	vadd.f32 v20, v9;
	v23 =	vld [tilespmem:s6+$0x0];
	v10 =	vadd.f32 v6, v10  }
0x12c: {  	v7 =	vmov s15;
	v6 =	vmov s14;
	v24 =	vld [tilespmem:s6+$0x10]  }
0x12d: {  	v6 =	vand.u32 $0xFFFFFFFC, v6;
	v25 =	vld [tilespmem:s6+$0xFFFFFF80]  }
0x12e: {  	v8 =	vbroadcast v6, $0x0;
	v27 =	vld [tilespmem:s6+$0xFFFFFF00]  }
0x12f: {  	s15 =	sadd.s32 $0x2, s14;
	v28 =	vld [tilespmem:s6+$0xFFFFFF10]  }
0x130: {  	s16 =	sadd.s32 $0x1, s14;
	v6 =	vmov s15;
	v30 =	vld [tilespmem:s6+$0xFFFFFF20]  }
0x131: {  	v13 =	vmov s16;
	v19 =	vand.u32 $0xFFFFFFFE, v6;
	v6 =	vld.idx.msk [tilespmem:v7+s30+$0x0], $0xffff  }
0x132: {  	v7 =	vand.u32 $0xFFFFFFFD, v13;
	v13 =	vbroadcast v19, $0x0;
	v31 =	vld [tilespmem:s6+$0xFFFFFF30]  }
0x133: {  	v7 =	vbroadcast v7, $0x0;
	v32 =	vld [tilespmem:s6+$0xFFFFFF40]  }
0x134: {  	v26 =	vld.idx.msk [tilespmem:v8+s30+$0x0], $0xffff  }
.Ltmp2:
0x135: {  	v33 =	vld [tilespmem:s6+$0xFFFFFF50];
	(pc) =	sbr.rel @p0 .LBB2_5-.Ltmp2, $4  }
0x136: {  	v34 =	vld [tilespmem:s6+$0xFFFFFF60]  }
0x137: {  	v19 =	vmul.f32 v36, v6;
	v20 =	vmul.f32 v35, v6;
	v29 =	vld [tilespmem:s6+$0xFFFFFF70]  }
0x138: {  	v21 =	vmul.f32 v37, v6;
	v22 =	vmul.f32 v18, v6;
	v13 =	vld.idx.msk [tilespmem:v13+s30+$0x0], $0xffff  }
0x139: {  	s14 =	sadd.s32 $0x4, s14;
	v8 =	vmul.f32 v38, v6;
	v18 =	vld.idx.msk [tilespmem:v7+s30+$0x0], $0xffff;
	v7 =	vmul.f32 v39, v6  }
0x13a: {  	v35 =	vld [tilespmem:s6+$0xFFFFFF90]  }
0x13b: {  	v36 =	vld [tilespmem:s6+$0xFFFFFFA0]  }
0x13c: {  	v27 =	vmul.f32 v27, v26;
	v37 =	vld [tilespmem:s6+$0xFFFFFFB0];
	v28 =	vmul.f32 v28, v26  }
0x13d: {  	v30 =	vmul.f32 v30, v26;
	v38 =	vld [tilespmem:s6+$0x20];
	v31 =	vmul.f32 v31, v26  }
0x13e: {  	v32 =	vmul.f32 v32, v26;
	v39 =	vld [tilespmem:s6+$0x30];
	v33 =	vmul.f32 v33, v26;
	v15 =	vadd.f32 v27, v15  }
0x13f: {  	v57 =	vld [tilespmem:s6+$0xFFFFFFC0];
	v34 =	vmul.f32 v34, v26;
	v17 =	vadd.f32 v28, v17;
	v16 =	vadd.f32 v30, v16  }
0x140: {  	v59 =	vld [tilespmem:s6+$0xFFFFFFD0];
	v14 =	vadd.f32 v31, v14;
	v23 =	vmul.f32 v23, v13;
	v24 =	vmul.f32 v24, v13  }
0x141: {  	v61 =	vld [tilespmem:s6+$0xFFFFFFE0];
	v11 =	vadd.f32 v32, v11;
	v25 =	vmul.f32 v25, v18;
	v35 =	vmul.f32 v35, v18  }
0x142: {  	v55 =	vld [tilespmem:s6+$0x40];
	v12 =	vadd.f32 v33, v12;
	v36 =	vmul.f32 v36, v18;
	v58 =	vmul.f32 v37, v18  }
0x143: {  	v63 =	vld [tilespmem:s6+$0xFFFFFFF0];
	v9 =	vadd.f32 v34, v9;
	v60 =	vmul.f32 v38, v13;
	v62 =	vmul.f32 v39, v13  }
0x144: {  	v56 =	vld [tilespmem:s6+$0x50];
	v38 =	vmul.f32 v29, v26;
	v42 =	vmul.f32 v57, v18;
	v15 =	vadd.f32 v25, v15  }
0x145: {  	v41 =	vld [tilespmem:s6+$0x70];
	v44 =	vmul.f32 v59, v18;
	v17 =	vadd.f32 v35, v17;
	v16 =	vadd.f32 v36, v16  }
0x146: {  	v43 =	vld [tilespmem:s6+$0xE0];
	v46 =	vmul.f32 v61, v18;
	v14 =	vadd.f32 v58, v14;
	v10 =	vadd.f32 v38, v10  }
0x147: {  	v45 =	vld [tilespmem:s6+$0xF0];
	v40 =	vmul.f32 v55, v13;
	v11 =	vadd.f32 v42, v11;
	v12 =	vadd.f32 v44, v12  }
0x148: {  	v39 =	vld [tilespmem:s6+$0x60];
	v48 =	vmul.f32 v63, v18;
	v9 =	vadd.f32 v46, v9;
	v15 =	vadd.f32 v23, v15  }
0x149: {  	v47 =	vld [tilespmem:$0x8280];
	v28 =	vmul.f32 v56, v13;
	v17 =	vadd.f32 v24, v17;
	v16 =	vadd.f32 v60, v16  }
0x14a: {  	v49 =	vld [tilespmem:$0x8290];
	v14 =	vadd.f32 v62, v14;
	v10 =	vadd.f32 v48, v10  }
0x14b: {  	v50 =	vld [tilespmem:$0x82A0];
	v11 =	vadd.f32 v40, v11;
	v12 =	vadd.f32 v28, v12  }
0x14c: {  	v51 =	vld [tilespmem:$0x82B0];
	v52 =	vmul.f32 v41, v13;
	v15 =	vadd.f32 v19, v15;
	v17 =	vadd.f32 v20, v17  }
0x14d: {  	v53 =	vld [tilespmem:$0x82C0];
	v23 =	vmul.f32 v39, v13;
	v16 =	vadd.f32 v21, v16;
	v14 =	vadd.f32 v22, v14  }
0x14e: {  	v54 =	vld [tilespmem:$0x82D0];
	v19 =	vmul.f32 v43, v6;
	v10 =	vadd.f32 v52, v10;
	v15 =	vadd.f32 v47, v15  }
0x14f: {  	v59 =	vld [tilespmem:$0x82F0];
	v6 =	vmul.f32 v45, v6;
	v8 =	vadd.f32 v8, v11;
	v55 =	vadd.f32 v49, v17  }
0x150: {  	v56 =	vld [tilespmem:$0x82E0];
	v7 =	vadd.f32 v7, v12;
	v58 =	vadd.f32 v50, v16;
	v57 =	vmax.f32 v15, $0.0e+00  }
0x151: {  	v9 =	vadd.f32 v23, v9;
	v61 =	vadd.f32 v51, v14;
	[tilespmem:$0x8480] =	vst v57;
	v60 =	vmax.f32 v55, $0.0e+00  }
0x152: {  	v8 =	vadd.f32 v53, v8;
	v6 =	vadd.f32 v6, v10;
	v62 =	vmax.f32 v58, $0.0e+00;
	[tilespmem:$0x8490] =	vst v60  }
0x153: {  	v7 =	vadd.f32 v54, v7;
	v9 =	vadd.f32 v19, v9;
	v63 =	vmax.f32 v61, $0.0e+00;
	[tilespmem:$0x84A0] =	vst v62  }
0x154: {  	v8 =	vmax.f32 v8, $0.0e+00;
	v6 =	vadd.f32 v59, v6;
	[tilespmem:$0x84B0] =	vst v63  }
0x155: {  	v7 =	vmax.f32 v7, $0.0e+00;
	v9 =	vadd.f32 v56, v9;
	[tilespmem:$0x84C0] =	vst v8  }
0x156: {  	s8 =	sadd.s32 $0x1, s8;
	[tilespmem:$0x84D0] =	vst v7;
	v6 =	vmax.f32 v6, $0.0e+00  }
0x157: {  	p0 =	sne.s32 s8, s12;
	v7 =	vmax.f32 v9, $0.0e+00;
	[tilespmem:$0x84F0] =	vst v6  }
.Ltmp3:
0x158: {  	[tilespmem:$0x84E0] =	vst v7;
	(pc) =	sbr.rel @p0 .LBB2_2-.Ltmp3, $4  }
0x159: {  	[hbm4b:s10+s13] =	stream.linear.scatter [tilespmem:s31], [sflag:$0x5], $0x80, $0x38;
	[tilespmem:$0x8580] =	vst v63  }
0x15a: {  	_ =	swait.ge [sflag:s21], $0x80  }
0x15b: {  	[sflag:s21] =	ssyncset.done $0x0  }
0x15c: {  	[sflag:s21] =	ssyncadd.s32 $0xFFFFFF80  }
.LBB2_7:
0x15d: {  	_ =	sfence.sel $0x180000  }
0x15e: {  	[bflag:$0x0] =	sbarrier.arrive $0xFFFF  }
0x15f: {  	_ =	strace $0x90000047  }
0x160: {  	s0 =	stileid.u32;
	[bflag:$0x2] =	sbarrier.arrive $0xFFFF  }
0x161: {  	p0 =	sne.s32 s0, $0x0;
	s0 =	rddreg [dreg:$0xa]  }
0x162: {  	s0 =	sadd.s32 @!p0 $0x100000, s0  }
0x163: {  	[sflag:s0] =	ssyncadd.tile.s32 @!p0 $0x1;
	_ =	shalt  }
.Lfunc_end2:
_tile_overlayer_lowered:
.L_overlay_start_2:
0x164: {  	(tag) =	ssettag $0x2  }
0x165: {  	s0 =	rddreg [dreg:$0x0];
	s2 =	stileid.u32  }
0x166: {  	s1 =	rddreg [dreg:$0x1];
	p0 =	sne.s32 s2, $0x0  }
0x167: {  	s3 =	rddreg [dreg:$0x2];
	[bflag:$0x3] =	sbarrier.arrive $0xFFFF;
	s2 =	simm.s32 @!p0 $0x1C05  }
0x168: {  	[timem:s3], [sflag:s2] =	dma.local @!p0 [hbm:s0], s1  }
0x169: {  	s0 =	simm.s32 @!p0 $0x5  }
0x16a: {  	_ =	swait.ge @!p0 [sflag:s0], s1  }
0x16b: {  	s1 =	ssub.s32 @!p0 $0x0, s1;
	[sflag:s0] =	ssyncset.done @!p0 $0x0  }
0x16c: {  	[sflag:s0] =	ssyncadd.s32 @!p0 s1  }
0x16d: {  	[bflag:$0x3] =	sbarrier.arrive $0xFFFF  }
0x16e: {  	_ =	shalt  }

</sc_bundles>
